<compile_context>
chip_gen: v7x
topology: tpu7x:2x2x1
jax: 0.10.2.dev20260603
libtpu: 0.0.44.dev20260713+nightly
codegen_flags: <defaults>
</compile_context>

<pallas_src>
import functools

import jax
import jax.numpy as jnp
from jax import lax
from jax.experimental import pallas as pl
from jax.experimental.pallas import tpu as pltpu
from jax.experimental.pallas import tpu_sc as plsc

_DELTA_DIST = 1.2
_VAR_W, _DIST_W, _REG_W, _ENT_W, _LOSS_W = 1.0, 1.0, 0.001, 1.0, 0.1
_C = 20
_NW = 32
_LANES = 16
_IW = 128


def _safe_sqrt(sq):
    pos = sq > 0
    r = jnp.sqrt(jnp.where(pos, sq, 1.0))
    return jnp.where(pos, r, 0.0)


def _sc_hist_body(idx_hbm, lab_hbm, out_hbm, idx_v, lab_v, flat_v, ones_v,
                  z_v, shared, *, chunk, num_sp):
    cid = lax.axis_index("c")
    sid = lax.axis_index("s")
    wid = cid * 16 + sid
    nbins = (_C + 1) * num_sp
    region = sid * nbins

    base = wid * chunk
    pltpu.sync_copy(idx_hbm.at[pl.ds(base, chunk)], idx_v)
    pltpu.sync_copy(lab_hbm.at[pl.ds(base, chunk)], lab_v)

    zeros16 = jnp.zeros((_LANES,), jnp.float32)
    ones16 = jnp.ones((_LANES,), jnp.float32)

    def zfill(i, carry):
        base8 = i * (8 * _LANES)
        for u in range(8):
            z_v[pl.ds(base8 + u * _LANES, _LANES)] = zeros16
        return carry

    lax.fori_loop(0, nbins // (8 * _LANES), zfill, 0)
    pltpu.sync_copy(z_v, shared.at[pl.ds(region, nbins)])

    def ofill(i, carry):
        ones_v[pl.ds(i * _LANES, _LANES)] = ones16
        return carry

    lax.fori_loop(0, _IW // _LANES, ofill, 0)

    vregs_per_row = _IW // _LANES

    def ffill(r, carry):
        for c in range(vregs_per_row):
            sl = pl.ds((r * vregs_per_row + c) * _LANES, _LANES)
            fl = lab_v[sl] * num_sp + idx_v[sl] + region
            flat_v[r, pl.ds(c * _LANES, _LANES)] = fl
        return carry

    lax.fori_loop(0, chunk // _IW, ffill, 0)

    def scat(k, carry):
        pltpu.sync_copy(ones_v, shared.at[flat_v.at[k]], add=True)
        return carry

    lax.fori_loop(0, chunk // _IW, scat, 0)

    pltpu.sync_copy(shared.at[pl.ds(region, nbins)], out_hbm.at[wid])


def _sc_hist(idx_pad, lab_pad, num_sp):
    chunk = idx_pad.shape[0] // _NW
    nbins = (_C + 1) * num_sp
    body = functools.partial(_sc_hist_body, chunk=chunk, num_sp=num_sp)
    return pl.kernel(
        body,
        mesh=plsc.VectorSubcoreMesh(core_axis_name="c", subcore_axis_name="s"),
        out_type=jax.ShapeDtypeStruct((_NW, nbins), jnp.float32),
        scratch_types=[
            pltpu.VMEM((chunk,), jnp.int32),
            pltpu.VMEM((chunk,), jnp.int32),
            pltpu.VMEM((chunk // _IW, _IW), jnp.int32),
            pltpu.VMEM((_IW,), jnp.float32),
            pltpu.VMEM((nbins,), jnp.float32),
            pltpu.VMEM_SHARED((16 * nbins,), jnp.float32),
        ],
    )(idx_pad, lab_pad)


def _main_kernel(sp_ref, raw_ref, idx_ref, hist_ref, out_ref, spnt_bf,
                 seg_acc, *, num_blocks, num_sp):
    j = pl.program_id(0)

    @pl.when(j == 0)
    def _init():
        sp = sp_ref[...]
        n2 = jnp.sum(sp * sp, axis=1, keepdims=True)
        spn = sp / jnp.maximum(jnp.sqrt(n2), 1e-12)
        spnt_bf[...] = jnp.transpose(spn).astype(jnp.bfloat16)
        seg_acc[...] = jnp.zeros_like(seg_acc)

    raw = raw_ref[...]
    rn2 = jnp.sum(raw * raw, axis=1, keepdims=True)
    rinv = 1.0 / jnp.maximum(jnp.sqrt(rn2), 1e-12)
    rawn_bf = (raw * rinv).astype(jnp.bfloat16)

    idx_i = idx_ref[0, 0, :][:, None]
    h = (idx_i >> 1).astype(jnp.bfloat16)
    p = (idx_i & 1).astype(jnp.bfloat16)
    one = jnp.ones_like(h)
    lhs = jnp.concatenate([h, p, one, one], axis=1)
    si = jax.lax.broadcasted_iota(jnp.int32, (1, num_sp), 1)
    rhs = jnp.concatenate(
        [2.0 * jnp.ones((1, num_sp), jnp.float32),
         jnp.ones((1, num_sp), jnp.float32),
         (-2 * (si >> 1)).astype(jnp.float32),
         (-(si & 1)).astype(jnp.float32)], axis=0).astype(jnp.bfloat16)
    diff = jnp.dot(lhs, rhs, preferred_element_type=jnp.float32)
    mask = diff == 0.0

    dmat = jnp.dot(rawn_bf, spnt_bf[...],
                   preferred_element_type=jnp.float32)
    dot = jnp.sum(jnp.where(mask, dmat, 0.0), axis=1, keepdims=True)
    dist = jnp.sqrt(jnp.maximum(2.0 - 2.0 * dot, 0.0))

    seg_acc[...] += jnp.sum(jnp.where(mask, dist, 0.0), axis=0,
                            keepdims=True)

    @pl.when(j == num_blocks - 1)
    def _finish():
        sp = sp_ref[...]
        n2 = jnp.sum(sp * sp, axis=1, keepdims=True)
        spn = sp / jnp.maximum(jnp.sqrt(n2), 1e-12)

        histf = jnp.sum(hist_ref[...], axis=0)
        hist = histf[:_C, :]
        counts = jnp.sum(hist, axis=0, keepdims=True)
        seg = seg_acc[...]

        per_var = seg / jnp.maximum(counts, 1.0)
        l_var = jnp.sum(jnp.maximum(per_var, 0.0)) / num_sp

        label_sums = counts + 1e-8
        probs = hist / label_sums
        entropy = -jnp.sum(probs * jnp.log(probs + 1e-8), axis=0,
                           keepdims=True)
        valid = (label_sums > 0).astype(jnp.float32)
        l_entropy = jnp.sum(entropy * valid) / jnp.maximum(jnp.sum(valid), 1.0)

        ci = jax.lax.broadcasted_iota(jnp.int32, (_C, num_sp), 0)
        mx = jnp.max(hist, axis=0, keepdims=True)
        sel_lab = jnp.min(jnp.where(hist == mx, ci, _C), axis=0,
                          keepdims=True)
        lab_mat = (ci == jnp.broadcast_to(sel_lab, (_C, num_sp))
                   ).astype(jnp.float32)
        same_label = jax.lax.dot_general(
            lab_mat, lab_mat, (((0,), (0,)), ((), ())),
            preferred_element_type=jnp.float32)
        pair_valid = jax.lax.dot_general(
            valid, valid, (((0,), (0,)), ((), ())),
            preferred_element_type=jnp.float32)
        ri = jax.lax.broadcasted_iota(jnp.int32, (num_sp, num_sp), 0)
        cj = jax.lax.broadcasted_iota(jnp.int32, (num_sp, num_sp), 1)
        off_diag = (ri != cj).astype(jnp.float32)
        pmask = (1.0 - same_label) * off_diag * pair_valid

        gram = jax.lax.dot_general(
            spn, spn, (((1,), (1,)), ((), ())),
            preferred_element_type=jnp.float32)
        gd = jnp.sum(spn * spn, axis=1, keepdims=True)
        cdsq = gd + jnp.transpose(gd) - 2.0 * gram
        center_dist = _safe_sqrt(cdsq)
        vals = jnp.maximum(_DELTA_DIST - center_dist, 0.0) ** 2
        l_dist = jnp.sum(vals * pmask) / jnp.maximum(jnp.sum(pmask), 1.0)

        l_reg = jnp.sum(_safe_sqrt(n2)) / num_sp

        total = (_VAR_W * l_var + _DIST_W * l_dist + _REG_W * l_reg
                 + _ENT_W * l_entropy)
        out_ref[...] = jnp.reshape(total * _LOSS_W, (1, 1))


def _tc_main(superPoint_feat, rawPoint_feat, idx3, hist32, block_b):
    num_sp, feat = superPoint_feat.shape
    num_blocks = idx3.shape[0]
    body = functools.partial(_main_kernel, num_blocks=num_blocks,
                             num_sp=num_sp)
    return pl.pallas_call(
        body,
        grid=(num_blocks,),
        in_specs=[
            pl.BlockSpec((num_sp, feat), lambda j: (0, 0)),
            pl.BlockSpec((block_b, feat), lambda j: (j, 0)),
            pl.BlockSpec((1, 1, block_b), lambda j: (j, 0, 0)),
            pl.BlockSpec((_NW, _C + 1, num_sp), lambda j: (0, 0, 0)),
        ],
        out_specs=pl.BlockSpec((1, 1), lambda j: (0, 0)),
        out_shape=jax.ShapeDtypeStruct((1, 1), jnp.float32),
        scratch_shapes=[
            pltpu.VMEM((feat, num_sp), jnp.bfloat16),
            pltpu.VMEM((1, num_sp), jnp.float32),
        ],
        compiler_params=pltpu.CompilerParams(
            dimension_semantics=("arbitrary",)),
    )(superPoint_feat, rawPoint_feat, idx3, hist32)


def kernel(superPoint_feat, rawPoint_feat, raw_to_super_index, label_inds):
    num_sp = superPoint_feat.shape[0]
    n = rawPoint_feat.shape[0]

    block_b = n
    for cand in (4000, 4096, 2048, 2000, 1024, 1000, 512, 200, 100):
        if n % cand == 0:
            block_b = cand
            break
    num_blocks = n // block_b
    idx3 = raw_to_super_index.reshape(num_blocks, 1, block_b)

    chunk = -(-n // _NW)
    chunk = ((chunk + _IW - 1) // _IW) * _IW
    n_pad = chunk * _NW
    idx_pad = jnp.pad(raw_to_super_index, (0, n_pad - n))
    lab_pad = jnp.pad(label_inds, (0, n_pad - n), constant_values=_C)

    hist32 = _sc_hist(idx_pad, lab_pad, num_sp).reshape(_NW, _C + 1, num_sp)
    out = _tc_main(superPoint_feat, rawPoint_feat, idx3, hist32, block_b)
    return out[0, 0]

# --- scband reference (transcript-rebuilt; emitter-appended) ---
"""Pipeline reference for scband-superpoint-discriminative-lossopt-7146825581142 (READ-ONLY COPY).

The authoritative reference and input builder live on the scoring server;
editing this copy changes nothing except your own understanding.
"""

import jax, jax.numpy as jnp
import numpy as np

DELTA_DIST = 1.2
VAR_W, DIST_W, REG_W, ENT_W, LOSS_W = 1.0, 1.0, 0.001, 1.0, 0.1


def _normalize(x, eps=1e-12):
    n = jnp.sqrt(jnp.sum(x * x, axis=1, keepdims=True))
    return x / jnp.maximum(n, eps)


def _safe_sqrt(sq):
    pos = sq > 0
    r = jnp.sqrt(jnp.where(pos, sq, 1.0))
    return jnp.where(pos, r, 0.0)


def setup_inputs(seed: int = 0):
    key = jax.random.key(seed)
    k1, k2, k3, k4 = jax.random.split(key, 4)
    superPoint_feat = jax.random.normal(k1, (512, 128), dtype=jnp.float32)
    rawPoint_feat = jax.random.normal(k2, (100000, 128), dtype=jnp.float32)
    raw_to_super_index = jax.random.randint(k3, (100000,), 0, 512, dtype=jnp.int32)
    label_inds = jax.random.randint(k4, (100000,), 0, 20, dtype=jnp.int32)
    return {"superPoint_feat": superPoint_feat, "rawPoint_feat": rawPoint_feat,
            "raw_to_super_index": raw_to_super_index, "label_inds": label_inds}


def reference(superPoint_feat, rawPoint_feat, raw_to_super_index, label_inds):
    M = superPoint_feat.shape[0]
    num_classes = 20

    # per-point distance to assigned superpoint (euclidean on normalized feats)
    raw_n = _normalize(rawPoint_feat)
    sel = jnp.take(superPoint_feat, raw_to_super_index, axis=0)
    sel_n = _normalize(sel)
    d = raw_n - sel_n
    distance = _safe_sqrt(jnp.sum(d * d, axis=1))

    # scatter_mean -> per-superpoint variance
    seg_sum = jax.ops.segment_sum(distance, raw_to_super_index, num_segments=M)
    counts = jax.ops.segment_sum(jnp.ones_like(distance), raw_to_super_index, num_segments=M)
    per_var = seg_sum / jnp.maximum(counts, 1.0)
    l_var = jnp.mean(jax.nn.relu(per_var))

    # label histogram per superpoint (valid labels only)
    valid = (label_inds >= 0).astype(jnp.float32)
    one_hot = jax.nn.one_hot(jnp.clip(label_inds, 0, num_classes - 1), num_classes, dtype=jnp.float32) * valid[:, None]
    label_counts = jax.ops.segment_sum(one_hot, raw_to_super_index, num_segments=M)
    label_sums = jnp.sum(label_counts, axis=1, keepdims=True) + 1e-8
    label_probs = label_counts / label_sums
    sp_labels = jnp.argmax(label_counts, axis=1)

    # pairwise center distance between normalized superpoint feats
    sp_n = _normalize(superPoint_feat)
    pd = sp_n[:, None, :] - sp_n[None, :, :]
    center_dist = _safe_sqrt(jnp.sum(pd * pd, axis=2))

    valid_sp = jnp.squeeze(label_sums, axis=1) > 0
    pair_valid = valid_sp[:, None] & valid_sp[None, :]
    diff_label = sp_labels[:, None] != sp_labels[None, :]
    off_diag = ~jnp.eye(M, dtype=bool)
    mask = (diff_label & off_diag & pair_valid).astype(jnp.float32)
    vals = jax.nn.relu(DELTA_DIST - center_dist) ** 2
    l_dist = jnp.sum(vals * mask) / jnp.maximum(jnp.sum(mask), 1.0)

    l_reg = jnp.mean(_safe_sqrt(jnp.sum(superPoint_feat * superPoint_feat, axis=1)))

    entropy = -jnp.sum(label_probs * jnp.log(label_probs + 1e-8), axis=1)
    vs = valid_sp.astype(jnp.float32)
    l_entropy = jnp.sum(entropy * vs) / jnp.maximum(jnp.sum(vs), 1.0)

    total = VAR_W * l_var + DIST_W * l_dist + REG_W * l_reg + ENT_W * l_entropy
    return total * LOSS_W

if __name__ == "__main__":
    import jax
    _d = setup_inputs()
    print(jax.jit(kernel)(*tuple(_d.values())))

</pallas_src>

<mosaic_0001>
#map = affine_map<(d0, d1) -> (0)>
#map1 = affine_map<(d0, d1) -> (0, 0)>
module attributes {stable_mosaic.version = 14 : i64} {
  func.func @_sc_hist_body(%arg0: i32, %arg1: i32, %arg2: memref<102400xi32, #tpu.memory_space<hbm>>, %arg3: memref<102400xi32, #tpu.memory_space<hbm>>, %arg4: memref<32x10752xf32, #tpu.memory_space<hbm>>, %arg5: memref<3200xi32, #tpu.memory_space<vmem>>, %arg6: memref<3200xi32, #tpu.memory_space<vmem>>, %arg7: memref<25x128xi32, #tpu.memory_space<vmem>>, %arg8: memref<128xf32, #tpu.memory_space<vmem>>, %arg9: memref<10752xf32, #tpu.memory_space<vmem>>, %arg10: memref<172032xf32, #tpu.memory_space<vmem_shared>>) attributes {dimension_semantics = [#tpu.dimension_semantics<core_parallel>, #tpu.dimension_semantics<subcore_parallel>], iteration_bounds = array<i64: 2, 16>, scalar_prefetch = 0 : i64, scratch_operands = 6 : i64, tpu.core_type = #tpu.core_type<sc_vector_subcore>, window_params = [{transform_indices = #map}, {transform_indices = #map}, {transform_indices = #map1}]} {
    %mul3A = arith.constant 16 : i32
    %mul3A_0 = arith.muli %arg0, %mul3A : i32
    %add3A = arith.addi %mul3A_0, %arg1 : i32
    %mul3A_1 = arith.constant 10752 : i32
    %mul3A_2 = arith.muli %arg1, %mul3A_1 : i32
    %mul3A_3 = arith.constant 3200 : i32
    %mul3A_4 = arith.muli %add3A, %mul3A_3 : i32
    "tpu.region"() ({
      %run_scoped3A = tpu.sem_alloc : memref<!tpu.dma_semaphore, #tpu.memory_space<semaphore_mem>>
      %dma_start3A = tpu.memref_slice %arg2[%mul3A_4] : memref<102400xi32, #tpu.memory_space<hbm>> -> memref<3200xi32, #tpu.memory_space<hbm>>
      %dma_start3A_31 = tpu.memref_slice %arg2[%mul3A_4] : memref<102400xi32, #tpu.memory_space<hbm>> -> memref<3200xi32, #tpu.memory_space<hbm>>
      tpu.enqueue_dma source(%dma_start3A_31 : memref<3200xi32, #tpu.memory_space<hbm>>) target(%arg5 : memref<3200xi32, #tpu.memory_space<vmem>>) target_semaphore(%run_scoped3A : memref<!tpu.dma_semaphore, #tpu.memory_space<semaphore_mem>>)
      %dma_wait3A = tpu.memref_slice %arg2[%mul3A_4] : memref<102400xi32, #tpu.memory_space<hbm>> -> memref<3200xi32, #tpu.memory_space<hbm>>
      %dma_wait3A_32 = tpu.memref_slice %arg2[%mul3A_4] : memref<102400xi32, #tpu.memory_space<hbm>> -> memref<3200xi32, #tpu.memory_space<hbm>>
      tpu.wait_dma2 semaphore(%run_scoped3A : memref<!tpu.dma_semaphore, #tpu.memory_space<semaphore_mem>>) src(%dma_wait3A_32 : memref<3200xi32, #tpu.memory_space<hbm>>) dst(%arg5 : memref<3200xi32, #tpu.memory_space<vmem>>)
      tpu.yield
    }) : () -> ()
    "tpu.region"() ({
      %run_scoped3A = tpu.sem_alloc : memref<!tpu.dma_semaphore, #tpu.memory_space<semaphore_mem>>
      %dma_start3A = tpu.memref_slice %arg3[%mul3A_4] : memref<102400xi32, #tpu.memory_space<hbm>> -> memref<3200xi32, #tpu.memory_space<hbm>>
      %dma_start3A_31 = tpu.memref_slice %arg3[%mul3A_4] : memref<102400xi32, #tpu.memory_space<hbm>> -> memref<3200xi32, #tpu.memory_space<hbm>>
      tpu.enqueue_dma source(%dma_start3A_31 : memref<3200xi32, #tpu.memory_space<hbm>>) target(%arg6 : memref<3200xi32, #tpu.memory_space<vmem>>) target_semaphore(%run_scoped3A : memref<!tpu.dma_semaphore, #tpu.memory_space<semaphore_mem>>)
      %dma_wait3A = tpu.memref_slice %arg3[%mul3A_4] : memref<102400xi32, #tpu.memory_space<hbm>> -> memref<3200xi32, #tpu.memory_space<hbm>>
      %dma_wait3A_32 = tpu.memref_slice %arg3[%mul3A_4] : memref<102400xi32, #tpu.memory_space<hbm>> -> memref<3200xi32, #tpu.memory_space<hbm>>
      tpu.wait_dma2 semaphore(%run_scoped3A : memref<!tpu.dma_semaphore, #tpu.memory_space<semaphore_mem>>) src(%dma_wait3A_32 : memref<3200xi32, #tpu.memory_space<hbm>>) dst(%arg6 : memref<3200xi32, #tpu.memory_space<vmem>>)
      tpu.yield
    }) : () -> ()
    %broadcast_in_dim3A = arith.constant 0.000000e+00 : f32
    %broadcast_in_dim3A_5 = vector.broadcast %broadcast_in_dim3A : f32 to vector<16xf32>
    %broadcast_in_dim3A_6 = arith.constant 1.000000e+00 : f32
    %broadcast_in_dim3A_7 = vector.broadcast %broadcast_in_dim3A_6 : f32 to vector<16xf32>
    %scan3A = arith.constant 0 : i32
    %scan3A_8 = arith.constant 0 : i32
    %scan3A_9 = arith.constant 84 : i32
    %scan3A_10 = arith.addi %scan3A_8, %scan3A_9 : i32
    %scan3A_11 = arith.constant 1 : i32
    scf.for %scan3A_31 = %scan3A_8 to %scan3A_10 step %scan3A_11  : i32 {
      %mul3A_32 = arith.constant 128 : i32
      %mul3A_33 = arith.muli %scan3A_31, %mul3A_32 : i32
      %add3A_34 = arith.constant 0 : i32
      %add3A_35 = arith.addi %mul3A_33, %add3A_34 : i32
      %swap3A = arith.index_cast %add3A_35 : i32 to index
      %swap3A_36 = tpu.vector_load %arg9[%swap3A] {strides = array<i32>} : memref<10752xf32, #tpu.memory_space<vmem>>, vector<16xf32>,
      %swap3A_37 = vector.shape_cast %swap3A_36 : vector<16xf32> to vector<16xf32>
      %swap3A_38 = vector.shape_cast %broadcast_in_dim3A_5 : vector<16xf32> to vector<16xf32>
      tpu.vector_store %arg9[%swap3A], %swap3A_38 {strides = array<i32>} : memref<10752xf32, #tpu.memory_space<vmem>>, vector<16xf32>,
      %add3A_39 = arith.constant 16 : i32
      %add3A_40 = arith.addi %mul3A_33, %add3A_39 : i32
      %swap3A_41 = arith.index_cast %add3A_40 : i32 to index
      %swap3A_42 = tpu.vector_load %arg9[%swap3A_41] {strides = array<i32>} : memref<10752xf32, #tpu.memory_space<vmem>>, vector<16xf32>,
      %swap3A_43 = vector.shape_cast %swap3A_42 : vector<16xf32> to vector<16xf32>
      %swap3A_44 = vector.shape_cast %broadcast_in_dim3A_5 : vector<16xf32> to vector<16xf32>
      tpu.vector_store %arg9[%swap3A_41], %swap3A_44 {strides = array<i32>} : memref<10752xf32, #tpu.memory_space<vmem>>, vector<16xf32>,
      %add3A_45 = arith.constant 32 : i32
      %add3A_46 = arith.addi %mul3A_33, %add3A_45 : i32
      %swap3A_47 = arith.index_cast %add3A_46 : i32 to index
      %swap3A_48 = tpu.vector_load %arg9[%swap3A_47] {strides = array<i32>} : memref<10752xf32, #tpu.memory_space<vmem>>, vector<16xf32>,
      %swap3A_49 = vector.shape_cast %swap3A_48 : vector<16xf32> to vector<16xf32>
      %swap3A_50 = vector.shape_cast %broadcast_in_dim3A_5 : vector<16xf32> to vector<16xf32>
      tpu.vector_store %arg9[%swap3A_47], %swap3A_50 {strides = array<i32>} : memref<10752xf32, #tpu.memory_space<vmem>>, vector<16xf32>,
      %add3A_51 = arith.constant 48 : i32
      %add3A_52 = arith.addi %mul3A_33, %add3A_51 : i32
      %swap3A_53 = arith.index_cast %add3A_52 : i32 to index
      %swap3A_54 = tpu.vector_load %arg9[%swap3A_53] {strides = array<i32>} : memref<10752xf32, #tpu.memory_space<vmem>>, vector<16xf32>,
      %swap3A_55 = vector.shape_cast %swap3A_54 : vector<16xf32> to vector<16xf32>
      %swap3A_56 = vector.shape_cast %broadcast_in_dim3A_5 : vector<16xf32> to vector<16xf32>
      tpu.vector_store %arg9[%swap3A_53], %swap3A_56 {strides = array<i32>} : memref<10752xf32, #tpu.memory_space<vmem>>, vector<16xf32>,
      %add3A_57 = arith.constant 64 : i32
      %add3A_58 = arith.addi %mul3A_33, %add3A_57 : i32
      %swap3A_59 = arith.index_cast %add3A_58 : i32 to index
      %swap3A_60 = tpu.vector_load %arg9[%swap3A_59] {strides = array<i32>} : memref<10752xf32, #tpu.memory_space<vmem>>, vector<16xf32>,
      %swap3A_61 = vector.shape_cast %swap3A_60 : vector<16xf32> to vector<16xf32>
      %swap3A_62 = vector.shape_cast %broadcast_in_dim3A_5 : vector<16xf32> to vector<16xf32>
      tpu.vector_store %arg9[%swap3A_59], %swap3A_62 {strides = array<i32>} : memref<10752xf32, #tpu.memory_space<vmem>>, vector<16xf32>,
      %add3A_63 = arith.constant 80 : i32
      %add3A_64 = arith.addi %mul3A_33, %add3A_63 : i32
      %swap3A_65 = arith.index_cast %add3A_64 : i32 to index
      %swap3A_66 = tpu.vector_load %arg9[%swap3A_65] {strides = array<i32>} : memref<10752xf32, #tpu.memory_space<vmem>>, vector<16xf32>,
      %swap3A_67 = vector.shape_cast %swap3A_66 : vector<16xf32> to vector<16xf32>
      %swap3A_68 = vector.shape_cast %broadcast_in_dim3A_5 : vector<16xf32> to vector<16xf32>
      tpu.vector_store %arg9[%swap3A_65], %swap3A_68 {strides = array<i32>} : memref<10752xf32, #tpu.memory_space<vmem>>, vector<16xf32>,
      %add3A_69 = arith.constant 96 : i32
      %add3A_70 = arith.addi %mul3A_33, %add3A_69 : i32
      %swap3A_71 = arith.index_cast %add3A_70 : i32 to index
      %swap3A_72 = tpu.vector_load %arg9[%swap3A_71] {strides = array<i32>} : memref<10752xf32, #tpu.memory_space<vmem>>, vector<16xf32>,
      %swap3A_73 = vector.shape_cast %swap3A_72 : vector<16xf32> to vector<16xf32>
      %swap3A_74 = vector.shape_cast %broadcast_in_dim3A_5 : vector<16xf32> to vector<16xf32>
      tpu.vector_store %arg9[%swap3A_71], %swap3A_74 {strides = array<i32>} : memref<10752xf32, #tpu.memory_space<vmem>>, vector<16xf32>,
      %add3A_75 = arith.constant 112 : i32
      %add3A_76 = arith.addi %mul3A_33, %add3A_75 : i32
      %swap3A_77 = arith.index_cast %add3A_76 : i32 to index
      %swap3A_78 = tpu.vector_load %arg9[%swap3A_77] {strides = array<i32>} : memref<10752xf32, #tpu.memory_space<vmem>>, vector<16xf32>,
      %swap3A_79 = vector.shape_cast %swap3A_78 : vector<16xf32> to vector<16xf32>
      %swap3A_80 = vector.shape_cast %broadcast_in_dim3A_5 : vector<16xf32> to vector<16xf32>
      tpu.vector_store %arg9[%swap3A_77], %swap3A_80 {strides = array<i32>} : memref<10752xf32, #tpu.memory_space<vmem>>, vector<16xf32>,
    }
    %scan3A_12 = arith.constant 84 : i32
    "tpu.region"() ({
      %run_scoped3A = tpu.sem_alloc : memref<!tpu.dma_semaphore, #tpu.memory_space<semaphore_mem>>
      %dma_start3A = tpu.memref_slice %arg10[%mul3A_2] : memref<172032xf32, #tpu.memory_space<vmem_shared>> -> memref<10752xf32, #tpu.memory_space<vmem_shared>>
      %dma_start3A_31 = tpu.memref_slice %arg10[%mul3A_2] : memref<172032xf32, #tpu.memory_space<vmem_shared>> -> memref<10752xf32, #tpu.memory_space<vmem_shared>>
      tpu.enqueue_dma source(%arg9 : memref<10752xf32, #tpu.memory_space<vmem>>) target(%dma_start3A_31 : memref<10752xf32, #tpu.memory_space<vmem_shared>>) target_semaphore(%run_scoped3A : memref<!tpu.dma_semaphore, #tpu.memory_space<semaphore_mem>>)
      %dma_wait3A = tpu.memref_slice %arg10[%mul3A_2] : memref<172032xf32, #tpu.memory_space<vmem_shared>> -> memref<10752xf32, #tpu.memory_space<vmem_shared>>
      %dma_wait3A_32 = tpu.memref_slice %arg10[%mul3A_2] : memref<172032xf32, #tpu.memory_space<vmem_shared>> -> memref<10752xf32, #tpu.memory_space<vmem_shared>>
      tpu.wait_dma2 semaphore(%run_scoped3A : memref<!tpu.dma_semaphore, #tpu.memory_space<semaphore_mem>>) src(%arg9 : memref<10752xf32, #tpu.memory_space<vmem>>) dst(%dma_wait3A_32 : memref<10752xf32, #tpu.memory_space<vmem_shared>>)
      tpu.yield
    }) : () -> ()
    %scan3A_13 = arith.constant 0 : i32
    %scan3A_14 = arith.constant 0 : i32
    %scan3A_15 = arith.constant 8 : i32
    %scan3A_16 = arith.addi %scan3A_14, %scan3A_15 : i32
    %scan3A_17 = arith.constant 1 : i32
    scf.for %scan3A_31 = %scan3A_14 to %scan3A_16 step %scan3A_17  : i32 {
      %mul3A_32 = arith.constant 16 : i32
      %mul3A_33 = arith.muli %scan3A_31, %mul3A_32 : i32
      %swap3A = arith.index_cast %mul3A_33 : i32 to index
      %swap3A_34 = tpu.vector_load %arg8[%swap3A] {strides = array<i32>} : memref<128xf32, #tpu.memory_space<vmem>>, vector<16xf32>,
      %swap3A_35 = vector.shape_cast %swap3A_34 : vector<16xf32> to vector<16xf32>
      %swap3A_36 = vector.shape_cast %broadcast_in_dim3A_7 : vector<16xf32> to vector<16xf32>
      tpu.vector_store %arg8[%swap3A], %swap3A_36 {strides = array<i32>} : memref<128xf32, #tpu.memory_space<vmem>>, vector<16xf32>,
    }
    %scan3A_18 = arith.constant 8 : i32
    %scan3A_19 = arith.constant 0 : i32
    %scan3A_20 = arith.constant 0 : i32
    %scan3A_21 = arith.constant 25 : i32
    %scan3A_22 = arith.addi %scan3A_20, %scan3A_21 : i32
    %scan3A_23 = arith.constant 1 : i32
    scf.for %scan3A_31 = %scan3A_20 to %scan3A_22 step %scan3A_23  : i32 {
      %mul3A_32 = arith.constant 8 : i32
      %mul3A_33 = arith.muli %scan3A_31, %mul3A_32 : i32
      %add3A_34 = arith.constant 0 : i32
      %add3A_35 = arith.addi %mul3A_33, %add3A_34 : i32
      %mul3A_36 = arith.constant 16 : i32
      %mul3A_37 = arith.muli %add3A_35, %mul3A_36 : i32
      %get3A = arith.index_cast %mul3A_37 : i32 to index
      %get3A_38 = tpu.vector_load %arg6[%get3A] {strides = array<i32>} : memref<3200xi32, #tpu.memory_space<vmem>>, vector<16xi32>,
      %get3A_39 = vector.shape_cast %get3A_38 : vector<16xi32> to vector<16xi32>
      %mul3A_40 = arith.constant 512 : i32
      %mul3A_41 = vector.broadcast %mul3A_40 : i32 to vector<16xi32>
      %mul3A_42 = arith.muli %get3A_39, %mul3A_41 : vector<16xi32>
      %get3A_43 = arith.index_cast %mul3A_37 : i32 to index
      %get3A_44 = tpu.vector_load %arg5[%get3A_43] {strides = array<i32>} : memref<3200xi32, #tpu.memory_space<vmem>>, vector<16xi32>,
      %get3A_45 = vector.shape_cast %get3A_44 : vector<16xi32> to vector<16xi32>
      %add3A_46 = arith.addi %mul3A_42, %get3A_45 : vector<16xi32>
      %add3A_47 = vector.broadcast %mul3A_2 : i32 to vector<16xi32>
      %add3A_48 = arith.addi %add3A_46, %add3A_47 : vector<16xi32>
      %swap3A = arith.index_cast %scan3A_31 : i32 to index
      %swap3A_49 = arith.constant 0 : index
      %swap3A_50 = tpu.vector_load %arg7[%swap3A, %swap3A_49] {strides = array<i32>} : memref<25x128xi32, #tpu.memory_space<vmem>>, vector<1x16xi32>,
      %swap3A_51 = vector.shape_cast %swap3A_50 : vector<1x16xi32> to vector<16xi32>
      %swap3A_52 = vector.shape_cast %add3A_48 : vector<16xi32> to vector<1x16xi32>
      tpu.vector_store %arg7[%swap3A, %swap3A_49], %swap3A_52 {strides = array<i32>} : memref<25x128xi32, #tpu.memory_space<vmem>>, vector<1x16xi32>,
      %mul3A_53 = arith.constant 8 : i32
      %mul3A_54 = arith.muli %scan3A_31, %mul3A_53 : i32
      %add3A_55 = arith.constant 1 : i32
      %add3A_56 = arith.addi %mul3A_54, %add3A_55 : i32
      %mul3A_57 = arith.constant 16 : i32
      %mul3A_58 = arith.muli %add3A_56, %mul3A_57 : i32
      %get3A_59 = arith.index_cast %mul3A_58 : i32 to index
      %get3A_60 = tpu.vector_load %arg6[%get3A_59] {strides = array<i32>} : memref<3200xi32, #tpu.memory_space<vmem>>, vector<16xi32>,
      %get3A_61 = vector.shape_cast %get3A_60 : vector<16xi32> to vector<16xi32>
      %mul3A_62 = arith.constant 512 : i32
      %mul3A_63 = vector.broadcast %mul3A_62 : i32 to vector<16xi32>
      %mul3A_64 = arith.muli %get3A_61, %mul3A_63 : vector<16xi32>
      %get3A_65 = arith.index_cast %mul3A_58 : i32 to index
      %get3A_66 = tpu.vector_load %arg5[%get3A_65] {strides = array<i32>} : memref<3200xi32, #tpu.memory_space<vmem>>, vector<16xi32>,
      %get3A_67 = vector.shape_cast %get3A_66 : vector<16xi32> to vector<16xi32>
      %add3A_68 = arith.addi %mul3A_64, %get3A_67 : vector<16xi32>
      %add3A_69 = vector.broadcast %mul3A_2 : i32 to vector<16xi32>
      %add3A_70 = arith.addi %add3A_68, %add3A_69 : vector<16xi32>
      %swap3A_71 = arith.index_cast %scan3A_31 : i32 to index
      %swap3A_72 = arith.constant 16 : index
      %swap3A_73 = tpu.vector_load %arg7[%swap3A_71, %swap3A_72] {strides = array<i32>} : memref<25x128xi32, #tpu.memory_space<vmem>>, vector<1x16xi32>,
      %swap3A_74 = vector.shape_cast %swap3A_73 : vector<1x16xi32> to vector<16xi32>
      %swap3A_75 = vector.shape_cast %add3A_70 : vector<16xi32> to vector<1x16xi32>
      tpu.vector_store %arg7[%swap3A_71, %swap3A_72], %swap3A_75 {strides = array<i32>} : memref<25x128xi32, #tpu.memory_space<vmem>>, vector<1x16xi32>,
      %mul3A_76 = arith.constant 8 : i32
      %mul3A_77 = arith.muli %scan3A_31, %mul3A_76 : i32
      %add3A_78 = arith.constant 2 : i32
      %add3A_79 = arith.addi %mul3A_77, %add3A_78 : i32
      %mul3A_80 = arith.constant 16 : i32
      %mul3A_81 = arith.muli %add3A_79, %mul3A_80 : i32
      %get3A_82 = arith.index_cast %mul3A_81 : i32 to index
      %get3A_83 = tpu.vector_load %arg6[%get3A_82] {strides = array<i32>} : memref<3200xi32, #tpu.memory_space<vmem>>, vector<16xi32>,
      %get3A_84 = vector.shape_cast %get3A_83 : vector<16xi32> to vector<16xi32>
      %mul3A_85 = arith.constant 512 : i32
      %mul3A_86 = vector.broadcast %mul3A_85 : i32 to vector<16xi32>
      %mul3A_87 = arith.muli %get3A_84, %mul3A_86 : vector<16xi32>
      %get3A_88 = arith.index_cast %mul3A_81 : i32 to index
      %get3A_89 = tpu.vector_load %arg5[%get3A_88] {strides = array<i32>} : memref<3200xi32, #tpu.memory_space<vmem>>, vector<16xi32>,
      %get3A_90 = vector.shape_cast %get3A_89 : vector<16xi32> to vector<16xi32>
      %add3A_91 = arith.addi %mul3A_87, %get3A_90 : vector<16xi32>
      %add3A_92 = vector.broadcast %mul3A_2 : i32 to vector<16xi32>
      %add3A_93 = arith.addi %add3A_91, %add3A_92 : vector<16xi32>
      %swap3A_94 = arith.index_cast %scan3A_31 : i32 to index
      %swap3A_95 = arith.constant 32 : index
      %swap3A_96 = tpu.vector_load %arg7[%swap3A_94, %swap3A_95] {strides = array<i32>} : memref<25x128xi32, #tpu.memory_space<vmem>>, vector<1x16xi32>,
      %swap3A_97 = vector.shape_cast %swap3A_96 : vector<1x16xi32> to vector<16xi32>
      %swap3A_98 = vector.shape_cast %add3A_93 : vector<16xi32> to vector<1x16xi32>
      tpu.vector_store %arg7[%swap3A_94, %swap3A_95], %swap3A_98 {strides = array<i32>} : memref<25x128xi32, #tpu.memory_space<vmem>>, vector<1x16xi32>,
      %mul3A_99 = arith.constant 8 : i32
      %mul3A_100 = arith.muli %scan3A_31, %mul3A_99 : i32
      %add3A_101 = arith.constant 3 : i32
      %add3A_102 = arith.addi %mul3A_100, %add3A_101 : i32
      %mul3A_103 = arith.constant 16 : i32
      %mul3A_104 = arith.muli %add3A_102, %mul3A_103 : i32
      %get3A_105 = arith.index_cast %mul3A_104 : i32 to index
      %get3A_106 = tpu.vector_load %arg6[%get3A_105] {strides = array<i32>} : memref<3200xi32, #tpu.memory_space<vmem>>, vector<16xi32>,
      %get3A_107 = vector.shape_cast %get3A_106 : vector<16xi32> to vector<16xi32>
      %mul3A_108 = arith.constant 512 : i32
      %mul3A_109 = vector.broadcast %mul3A_108 : i32 to vector<16xi32>
      %mul3A_110 = arith.muli %get3A_107, %mul3A_109 : vector<16xi32>
      %get3A_111 = arith.index_cast %mul3A_104 : i32 to index
      %get3A_112 = tpu.vector_load %arg5[%get3A_111] {strides = array<i32>} : memref<3200xi32, #tpu.memory_space<vmem>>, vector<16xi32>,
      %get3A_113 = vector.shape_cast %get3A_112 : vector<16xi32> to vector<16xi32>
      %add3A_114 = arith.addi %mul3A_110, %get3A_113 : vector<16xi32>
      %add3A_115 = vector.broadcast %mul3A_2 : i32 to vector<16xi32>
      %add3A_116 = arith.addi %add3A_114, %add3A_115 : vector<16xi32>
      %swap3A_117 = arith.index_cast %scan3A_31 : i32 to index
      %swap3A_118 = arith.constant 48 : index
      %swap3A_119 = tpu.vector_load %arg7[%swap3A_117, %swap3A_118] {strides = array<i32>} : memref<25x128xi32, #tpu.memory_space<vmem>>, vector<1x16xi32>,
      %swap3A_120 = vector.shape_cast %swap3A_119 : vector<1x16xi32> to vector<16xi32>
      %swap3A_121 = vector.shape_cast %add3A_116 : vector<16xi32> to vector<1x16xi32>
      tpu.vector_store %arg7[%swap3A_117, %swap3A_118], %swap3A_121 {strides = array<i32>} : memref<25x128xi32, #tpu.memory_space<vmem>>, vector<1x16xi32>,
      %mul3A_122 = arith.constant 8 : i32
      %mul3A_123 = arith.muli %scan3A_31, %mul3A_122 : i32
      %add3A_124 = arith.constant 4 : i32
      %add3A_125 = arith.addi %mul3A_123, %add3A_124 : i32
      %mul3A_126 = arith.constant 16 : i32
      %mul3A_127 = arith.muli %add3A_125, %mul3A_126 : i32
      %get3A_128 = arith.index_cast %mul3A_127 : i32 to index
      %get3A_129 = tpu.vector_load %arg6[%get3A_128] {strides = array<i32>} : memref<3200xi32, #tpu.memory_space<vmem>>, vector<16xi32>,
      %get3A_130 = vector.shape_cast %get3A_129 : vector<16xi32> to vector<16xi32>
      %mul3A_131 = arith.constant 512 : i32
      %mul3A_132 = vector.broadcast %mul3A_131 : i32 to vector<16xi32>
      %mul3A_133 = arith.muli %get3A_130, %mul3A_132 : vector<16xi32>
      %get3A_134 = arith.index_cast %mul3A_127 : i32 to index
      %get3A_135 = tpu.vector_load %arg5[%get3A_134] {strides = array<i32>} : memref<3200xi32, #tpu.memory_space<vmem>>, vector<16xi32>,
      %get3A_136 = vector.shape_cast %get3A_135 : vector<16xi32> to vector<16xi32>
      %add3A_137 = arith.addi %mul3A_133, %get3A_136 : vector<16xi32>
      %add3A_138 = vector.broadcast %mul3A_2 : i32 to vector<16xi32>
      %add3A_139 = arith.addi %add3A_137, %add3A_138 : vector<16xi32>
      %swap3A_140 = arith.index_cast %scan3A_31 : i32 to index
      %swap3A_141 = arith.constant 64 : index
      %swap3A_142 = tpu.vector_load %arg7[%swap3A_140, %swap3A_141] {strides = array<i32>} : memref<25x128xi32, #tpu.memory_space<vmem>>, vector<1x16xi32>,
      %swap3A_143 = vector.shape_cast %swap3A_142 : vector<1x16xi32> to vector<16xi32>
      %swap3A_144 = vector.shape_cast %add3A_139 : vector<16xi32> to vector<1x16xi32>
      tpu.vector_store %arg7[%swap3A_140, %swap3A_141], %swap3A_144 {strides = array<i32>} : memref<25x128xi32, #tpu.memory_space<vmem>>, vector<1x16xi32>,
      %mul3A_145 = arith.constant 8 : i32
      %mul3A_146 = arith.muli %scan3A_31, %mul3A_145 : i32
      %add3A_147 = arith.constant 5 : i32
      %add3A_148 = arith.addi %mul3A_146, %add3A_147 : i32
      %mul3A_149 = arith.constant 16 : i32
      %mul3A_150 = arith.muli %add3A_148, %mul3A_149 : i32
      %get3A_151 = arith.index_cast %mul3A_150 : i32 to index
      %get3A_152 = tpu.vector_load %arg6[%get3A_151] {strides = array<i32>} : memref<3200xi32, #tpu.memory_space<vmem>>, vector<16xi32>,
      %get3A_153 = vector.shape_cast %get3A_152 : vector<16xi32> to vector<16xi32>
      %mul3A_154 = arith.constant 512 : i32
      %mul3A_155 = vector.broadcast %mul3A_154 : i32 to vector<16xi32>
      %mul3A_156 = arith.muli %get3A_153, %mul3A_155 : vector<16xi32>
      %get3A_157 = arith.index_cast %mul3A_150 : i32 to index
      %get3A_158 = tpu.vector_load %arg5[%get3A_157] {strides = array<i32>} : memref<3200xi32, #tpu.memory_space<vmem>>, vector<16xi32>,
      %get3A_159 = vector.shape_cast %get3A_158 : vector<16xi32> to vector<16xi32>
      %add3A_160 = arith.addi %mul3A_156, %get3A_159 : vector<16xi32>
      %add3A_161 = vector.broadcast %mul3A_2 : i32 to vector<16xi32>
      %add3A_162 = arith.addi %add3A_160, %add3A_161 : vector<16xi32>
      %swap3A_163 = arith.index_cast %scan3A_31 : i32 to index
      %swap3A_164 = arith.constant 80 : index
      %swap3A_165 = tpu.vector_load %arg7[%swap3A_163, %swap3A_164] {strides = array<i32>} : memref<25x128xi32, #tpu.memory_space<vmem>>, vector<1x16xi32>,
      %swap3A_166 = vector.shape_cast %swap3A_165 : vector<1x16xi32> to vector<16xi32>
      %swap3A_167 = vector.shape_cast %add3A_162 : vector<16xi32> to vector<1x16xi32>
      tpu.vector_store %arg7[%swap3A_163, %swap3A_164], %swap3A_167 {strides = array<i32>} : memref<25x128xi32, #tpu.memory_space<vmem>>, vector<1x16xi32>,
      %mul3A_168 = arith.constant 8 : i32
      %mul3A_169 = arith.muli %scan3A_31, %mul3A_168 : i32
      %add3A_170 = arith.constant 6 : i32
      %add3A_171 = arith.addi %mul3A_169, %add3A_170 : i32
      %mul3A_172 = arith.constant 16 : i32
      %mul3A_173 = arith.muli %add3A_171, %mul3A_172 : i32
      %get3A_174 = arith.index_cast %mul3A_173 : i32 to index
      %get3A_175 = tpu.vector_load %arg6[%get3A_174] {strides = array<i32>} : memref<3200xi32, #tpu.memory_space<vmem>>, vector<16xi32>,
      %get3A_176 = vector.shape_cast %get3A_175 : vector<16xi32> to vector<16xi32>
      %mul3A_177 = arith.constant 512 : i32
      %mul3A_178 = vector.broadcast %mul3A_177 : i32 to vector<16xi32>
      %mul3A_179 = arith.muli %get3A_176, %mul3A_178 : vector<16xi32>
      %get3A_180 = arith.index_cast %mul3A_173 : i32 to index
      %get3A_181 = tpu.vector_load %arg5[%get3A_180] {strides = array<i32>} : memref<3200xi32, #tpu.memory_space<vmem>>, vector<16xi32>,
      %get3A_182 = vector.shape_cast %get3A_181 : vector<16xi32> to vector<16xi32>
      %add3A_183 = arith.addi %mul3A_179, %get3A_182 : vector<16xi32>
      %add3A_184 = vector.broadcast %mul3A_2 : i32 to vector<16xi32>
      %add3A_185 = arith.addi %add3A_183, %add3A_184 : vector<16xi32>
      %swap3A_186 = arith.index_cast %scan3A_31 : i32 to index
      %swap3A_187 = arith.constant 96 : index
      %swap3A_188 = tpu.vector_load %arg7[%swap3A_186, %swap3A_187] {strides = array<i32>} : memref<25x128xi32, #tpu.memory_space<vmem>>, vector<1x16xi32>,
      %swap3A_189 = vector.shape_cast %swap3A_188 : vector<1x16xi32> to vector<16xi32>
      %swap3A_190 = vector.shape_cast %add3A_185 : vector<16xi32> to vector<1x16xi32>
      tpu.vector_store %arg7[%swap3A_186, %swap3A_187], %swap3A_190 {strides = array<i32>} : memref<25x128xi32, #tpu.memory_space<vmem>>, vector<1x16xi32>,
      %mul3A_191 = arith.constant 8 : i32
      %mul3A_192 = arith.muli %scan3A_31, %mul3A_191 : i32
      %add3A_193 = arith.constant 7 : i32
      %add3A_194 = arith.addi %mul3A_192, %add3A_193 : i32
      %mul3A_195 = arith.constant 16 : i32
      %mul3A_196 = arith.muli %add3A_194, %mul3A_195 : i32
      %get3A_197 = arith.index_cast %mul3A_196 : i32 to index
      %get3A_198 = tpu.vector_load %arg6[%get3A_197] {strides = array<i32>} : memref<3200xi32, #tpu.memory_space<vmem>>, vector<16xi32>,
      %get3A_199 = vector.shape_cast %get3A_198 : vector<16xi32> to vector<16xi32>
      %mul3A_200 = arith.constant 512 : i32
      %mul3A_201 = vector.broadcast %mul3A_200 : i32 to vector<16xi32>
      %mul3A_202 = arith.muli %get3A_199, %mul3A_201 : vector<16xi32>
      %get3A_203 = arith.index_cast %mul3A_196 : i32 to index
      %get3A_204 = tpu.vector_load %arg5[%get3A_203] {strides = array<i32>} : memref<3200xi32, #tpu.memory_space<vmem>>, vector<16xi32>,
      %get3A_205 = vector.shape_cast %get3A_204 : vector<16xi32> to vector<16xi32>
      %add3A_206 = arith.addi %mul3A_202, %get3A_205 : vector<16xi32>
      %add3A_207 = vector.broadcast %mul3A_2 : i32 to vector<16xi32>
      %add3A_208 = arith.addi %add3A_206, %add3A_207 : vector<16xi32>
      %swap3A_209 = arith.index_cast %scan3A_31 : i32 to index
      %swap3A_210 = arith.constant 112 : index
      %swap3A_211 = tpu.vector_load %arg7[%swap3A_209, %swap3A_210] {strides = array<i32>} : memref<25x128xi32, #tpu.memory_space<vmem>>, vector<1x16xi32>,
      %swap3A_212 = vector.shape_cast %swap3A_211 : vector<1x16xi32> to vector<16xi32>
      %swap3A_213 = vector.shape_cast %add3A_208 : vector<16xi32> to vector<1x16xi32>
      tpu.vector_store %arg7[%swap3A_209, %swap3A_210], %swap3A_213 {strides = array<i32>} : memref<25x128xi32, #tpu.memory_space<vmem>>, vector<1x16xi32>,
    }
    %scan3A_24 = arith.constant 25 : i32
    %scan3A_25 = arith.constant 0 : i32
    %scan3A_26 = arith.constant 0 : i32
    %scan3A_27 = arith.constant 25 : i32
    %scan3A_28 = arith.addi %scan3A_26, %scan3A_27 : i32
    %scan3A_29 = arith.constant 1 : i32
    scf.for %scan3A_31 = %scan3A_26 to %scan3A_28 step %scan3A_29  : i32 {
      "tpu.region"() ({
        %run_scoped3A = tpu.sem_alloc : memref<!tpu.dma_semaphore, #tpu.memory_space<semaphore_mem>>
        %dma_start3A = arith.constant 0 : i32
        %dma_start3A_32 = tpu.memref_slice %arg7[%scan3A_31, %dma_start3A] : memref<25x128xi32, #tpu.memory_space<vmem>> -> memref<1x128xi32, #tpu.memory_space<vmem>>
        %dma_start3A_33 = tpu.memref_squeeze %dma_start3A_32 : memref<1x128xi32, #tpu.memory_space<vmem>> -> memref<128xi32, #tpu.memory_space<vmem>>
        %dma_start3A_34 = arith.constant 0 : i32
        %dma_start3A_35 = tpu.memref_slice %arg10[%dma_start3A_34] : memref<172032xf32, #tpu.memory_space<vmem_shared>> -> memref<172032xf32, #tpu.memory_space<vmem_shared>>
        tpu.enqueue_indirect_dma source(%arg8 : memref<128xf32, #tpu.memory_space<vmem>>) target(%dma_start3A_35 : memref<172032xf32, #tpu.memory_space<vmem_shared>>) offsets(%dma_start3A_33 : memref<128xi32, #tpu.memory_space<vmem>>) semaphore(%run_scoped3A : memref<!tpu.dma_semaphore, #tpu.memory_space<semaphore_mem>>) {add = true}
        %dma_wait3A = arith.constant 0 : i32
        %dma_wait3A_36 = tpu.memref_slice %arg7[%scan3A_31, %dma_wait3A] : memref<25x128xi32, #tpu.memory_space<vmem>> -> memref<1x128xi32, #tpu.memory_space<vmem>>
        %dma_wait3A_37 = tpu.memref_squeeze %dma_wait3A_36 : memref<1x128xi32, #tpu.memory_space<vmem>> -> memref<128xi32, #tpu.memory_space<vmem>>
        %dma_wait3A_38 = arith.constant 0 : i32
        %dma_wait3A_39 = tpu.memref_slice %arg10[%dma_wait3A_38] : memref<172032xf32, #tpu.memory_space<vmem_shared>> -> memref<172032xf32, #tpu.memory_space<vmem_shared>>
        tpu.wait_indirect_dma semaphore(%run_scoped3A : memref<!tpu.dma_semaphore, #tpu.memory_space<semaphore_mem>>) src(%arg8 : memref<128xf32, #tpu.memory_space<vmem>>) dst(%dma_wait3A_39 : memref<172032xf32, #tpu.memory_space<vmem_shared>>)
        tpu.yield
      }) : () -> ()
    }
    %scan3A_30 = arith.constant 25 : i32
    "tpu.region"() ({
      %run_scoped3A = tpu.sem_alloc : memref<!tpu.dma_semaphore, #tpu.memory_space<semaphore_mem>>
      %dma_start3A = arith.constant 0 : i32
      %dma_start3A_31 = tpu.memref_slice %arg4[%add3A, %dma_start3A] : memref<32x10752xf32, #tpu.memory_space<hbm>> -> memref<1x10752xf32, #tpu.memory_space<hbm>>
      %dma_start3A_32 = tpu.memref_squeeze %dma_start3A_31 : memref<1x10752xf32, #tpu.memory_space<hbm>> -> memref<10752xf32, #tpu.memory_space<hbm>>
      %dma_start3A_33 = tpu.memref_slice %arg10[%mul3A_2] : memref<172032xf32, #tpu.memory_space<vmem_shared>> -> memref<10752xf32, #tpu.memory_space<vmem_shared>>
      tpu.enqueue_dma source(%dma_start3A_33 : memref<10752xf32, #tpu.memory_space<vmem_shared>>) target(%dma_start3A_32 : memref<10752xf32, #tpu.memory_space<hbm>>) target_semaphore(%run_scoped3A : memref<!tpu.dma_semaphore, #tpu.memory_space<semaphore_mem>>)
      %dma_wait3A = arith.constant 0 : i32
      %dma_wait3A_34 = tpu.memref_slice %arg4[%add3A, %dma_wait3A] : memref<32x10752xf32, #tpu.memory_space<hbm>> -> memref<1x10752xf32, #tpu.memory_space<hbm>>
      %dma_wait3A_35 = tpu.memref_squeeze %dma_wait3A_34 : memref<1x10752xf32, #tpu.memory_space<hbm>> -> memref<10752xf32, #tpu.memory_space<hbm>>
      %dma_wait3A_36 = tpu.memref_slice %arg10[%mul3A_2] : memref<172032xf32, #tpu.memory_space<vmem_shared>> -> memref<10752xf32, #tpu.memory_space<vmem_shared>>
      tpu.wait_dma2 semaphore(%run_scoped3A : memref<!tpu.dma_semaphore, #tpu.memory_space<semaphore_mem>>) src(%dma_wait3A_36 : memref<10752xf32, #tpu.memory_space<vmem_shared>>) dst(%dma_wait3A_35 : memref<10752xf32, #tpu.memory_space<hbm>>)
      tpu.yield
    }) : () -> ()
    return
  }
}

module attributes {stable_mosaic.version = 14 : i64} {
  func.func @_main_kernel(%arg0: i32, %arg1: memref<512x128xf32, #tpu.memory_space<vmem>>, %arg2: memref<4000x128xf32, #tpu.memory_space<vmem>>, %arg3: memref<1x1x4000xi32, #tpu.memory_space<vmem>>, %arg4: memref<32x21x512xf32, #tpu.memory_space<vmem>>, %arg5: memref<1x1xf32, #tpu.memory_space<vmem>>, %arg6: memref<128x512xbf16, #tpu.memory_space<vmem>>, %arg7: memref<1x512xf32, #tpu.memory_space<vmem>>) attributes {dimension_semantics = [#tpu.dimension_semantics<arbitrary>], iteration_bounds = array<i64: 25>, scalar_prefetch = 0 : i64, scratch_operands = 2 : i64, tpu.core_type = #tpu.core_type<tc>, window_params = [{pipeline_mode = #tpu.pipeline_mode<synchronous>, transform_indices = @transform_0, window_bounds = array<i64: 512, 128>}, {transform_indices = @transform_1, window_bounds = array<i64: 4000, 128>}, {transform_indices = @transform_2, window_bounds = array<i64: 1, 1, 4000>}, {pipeline_mode = #tpu.pipeline_mode<synchronous>, transform_indices = @transform_3, window_bounds = array<i64: 32, 21, 512>}, {pipeline_mode = #tpu.pipeline_mode<synchronous>, transform_indices = @transform_4, window_bounds = array<i64: 1, 1>}]} {
    %eq3A = arith.constant 0 : i32
    %eq3A_0 = arith.cmpi eq, %arg0, %eq3A : i32
    %convert_element_type3A = arith.extui %eq3A_0 : i1 to i32
    %cond3A = arith.constant 0 : i32
    %cond3A_1 = arith.cmpi ne, %convert_element_type3A, %cond3A : i32
    scf.if %cond3A_1 {
      %get3A_88 = arith.constant 0 : index
      %get3A_89 = arith.constant 0 : index
      %get3A_90 = vector.load %arg1[%get3A_88, %get3A_89] : memref<512x128xf32, #tpu.memory_space<vmem>>, vector<512x128xf32>
      %mul3A_91 = arith.mulf %get3A_90, %get3A_90 : vector<512x128xf32>
      %reduce_sum3A_92 = arith.constant dense<0.000000e+00> : vector<512xf32>
      %reduce_sum3A_93 = vector.multi_reduction <add>, %mul3A_91, %reduce_sum3A_92 [1] : vector<512x128xf32> to vector<512xf32>
      %broadcast_in_dim3A_94 = vector.shape_cast %reduce_sum3A_93 : vector<512xf32> to vector<512x1xf32>
      %sqrt3A_95 = math.sqrt %broadcast_in_dim3A_94 : vector<512x1xf32>
      %max3A_96 = arith.constant 9.99999996E-13 : f32
      %max3A_97 = vector.broadcast %max3A_96 : f32 to vector<512x1xf32>
      %max3A_98 = arith.maximumf %sqrt3A_95, %max3A_97 : vector<512x1xf32>
      %div3A_99 = vector.broadcast %max3A_98 : vector<512x1xf32> to vector<512x128xf32>
      %div3A_100 = arith.divf %get3A_90, %div3A_99 : vector<512x128xf32>
      %transpose3A = tpu.transpose %div3A_100, [1, 0] : vector<512x128xf32> -> vector<128x512xf32>
      %convert_element_type3A_101 = arith.truncf %transpose3A : vector<128x512xf32> to vector<128x512xbf16>
      %swap3A_102 = arith.constant 0 : index
      %swap3A_103 = arith.constant 0 : index
      %swap3A_104 = vector.load %arg6[%swap3A_102, %swap3A_103] : memref<128x512xbf16, #tpu.memory_space<vmem>>, vector<128x512xbf16>
      tpu.vector_store %arg6[%swap3A_102, %swap3A_103], %convert_element_type3A_101 {strides = array<i32>} : memref<128x512xbf16, #tpu.memory_space<vmem>>, vector<128x512xbf16>,
      %broadcast_in_dim3A_105 = arith.constant 0.000000e+00 : f32
      %broadcast_in_dim3A_106 = vector.broadcast %broadcast_in_dim3A_105 : f32 to vector<1x512xf32>
      %swap3A_107 = arith.constant 0 : index
      %swap3A_108 = arith.constant 0 : index
      %swap3A_109 = vector.load %arg7[%swap3A_107, %swap3A_108] : memref<1x512xf32, #tpu.memory_space<vmem>>, vector<1x512xf32>
      tpu.vector_store %arg7[%swap3A_107, %swap3A_108], %broadcast_in_dim3A_106 {strides = array<i32>} : memref<1x512xf32, #tpu.memory_space<vmem>>, vector<1x512xf32>,
    } else {
    }
    %get3A = arith.constant 0 : index
    %get3A_2 = arith.constant 0 : index
    %get3A_3 = vector.load %arg2[%get3A, %get3A_2] : memref<4000x128xf32, #tpu.memory_space<vmem>>, vector<4000x128xf32>
    %mul3A = arith.mulf %get3A_3, %get3A_3 : vector<4000x128xf32>
    %reduce_sum3A = arith.constant dense<0.000000e+00> : vector<4000xf32>
    %reduce_sum3A_4 = vector.multi_reduction <add>, %mul3A, %reduce_sum3A [1] : vector<4000x128xf32> to vector<4000xf32>
    %broadcast_in_dim3A = vector.shape_cast %reduce_sum3A_4 : vector<4000xf32> to vector<4000x1xf32>
    %sqrt3A = math.sqrt %broadcast_in_dim3A : vector<4000x1xf32>
    %max3A = arith.constant 9.99999996E-13 : f32
    %max3A_5 = vector.broadcast %max3A : f32 to vector<4000x1xf32>
    %max3A_6 = arith.maximumf %sqrt3A, %max3A_5 : vector<4000x1xf32>
    %div3A = arith.constant 1.000000e+00 : f32
    %div3A_7 = vector.broadcast %div3A : f32 to vector<4000x1xf32>
    %div3A_8 = arith.divf %div3A_7, %max3A_6 : vector<4000x1xf32>
    %mul3A_9 = vector.broadcast %div3A_8 : vector<4000x1xf32> to vector<4000x128xf32>
    %mul3A_10 = arith.mulf %get3A_3, %mul3A_9 : vector<4000x128xf32>
    %convert_element_type3A_11 = arith.truncf %mul3A_10 : vector<4000x128xf32> to vector<4000x128xbf16>
    %get3A_12 = arith.constant 0 : index
    %get3A_13 = arith.constant 0 : index
    %get3A_14 = arith.constant 0 : index
    %get3A_15 = vector.load %arg3[%get3A_12, %get3A_13, %get3A_14] : memref<1x1x4000xi32, #tpu.memory_space<vmem>>, vector<1x1x4000xi32>
    %get3A_16 = vector.shape_cast %get3A_15 : vector<1x1x4000xi32> to vector<4000xi32>
    %broadcast_in_dim3A_17 = vector.shape_cast %get3A_16 : vector<4000xi32> to vector<4000x1xi32>
    %shift_right_arithmetic3A = arith.constant 1 : i32
    %shift_right_arithmetic3A_18 = vector.broadcast %shift_right_arithmetic3A : i32 to vector<4000x1xi32>
    %shift_right_arithmetic3A_19 = arith.shrsi %broadcast_in_dim3A_17, %shift_right_arithmetic3A_18 : vector<4000x1xi32>
    %convert_element_type3A_20 = arith.sitofp %shift_right_arithmetic3A_19 : vector<4000x1xi32> to vector<4000x1xbf16>
    %and3A = arith.constant 1 : i32
    %and3A_21 = vector.broadcast %and3A : i32 to vector<4000x1xi32>
    %and3A_22 = arith.andi %broadcast_in_dim3A_17, %and3A_21 : vector<4000x1xi32>
    %convert_element_type3A_23 = arith.sitofp %and3A_22 : vector<4000x1xi32> to vector<4000x1xbf16>
    %broadcast_in_dim3A_24 = arith.constant 1.000000e+00 : bf16
    %broadcast_in_dim3A_25 = vector.broadcast %broadcast_in_dim3A_24 : bf16 to vector<4000x1xbf16>
    %concatenate3A = tpu.concatenate %convert_element_type3A_20, %convert_element_type3A_23, %broadcast_in_dim3A_25, %broadcast_in_dim3A_25 in 1 : vector<4000x1xbf16>, vector<4000x1xbf16>, vector<4000x1xbf16>, vector<4000x1xbf16> -> vector<4000x4xbf16>
    %iota3A = tpu.iota {dimensions = array<i32: 1>} : vector<1x512xi32>
    %broadcast_in_dim3A_26 = arith.constant 1.000000e+00 : f32
    %broadcast_in_dim3A_27 = vector.broadcast %broadcast_in_dim3A_26 : f32 to vector<1x512xf32>
    %mul3A_28 = arith.constant 2.000000e+00 : f32
    %mul3A_29 = vector.broadcast %mul3A_28 : f32 to vector<1x512xf32>
    %mul3A_30 = arith.mulf %mul3A_29, %broadcast_in_dim3A_27 : vector<1x512xf32>
    %broadcast_in_dim3A_31 = arith.constant 1.000000e+00 : f32
    %broadcast_in_dim3A_32 = vector.broadcast %broadcast_in_dim3A_31 : f32 to vector<1x512xf32>
    %shift_right_arithmetic3A_33 = arith.constant 1 : i32
    %shift_right_arithmetic3A_34 = vector.broadcast %shift_right_arithmetic3A_33 : i32 to vector<1x512xi32>
    %shift_right_arithmetic3A_35 = arith.shrsi %iota3A, %shift_right_arithmetic3A_34 : vector<1x512xi32>
    %mul3A_36 = arith.constant -2 : i32
    %mul3A_37 = vector.broadcast %mul3A_36 : i32 to vector<1x512xi32>
    %mul3A_38 = arith.muli %mul3A_37, %shift_right_arithmetic3A_35 : vector<1x512xi32>
    %convert_element_type3A_39 = arith.sitofp %mul3A_38 : vector<1x512xi32> to vector<1x512xf32>
    %and3A_40 = arith.constant 1 : i32
    %and3A_41 = vector.broadcast %and3A_40 : i32 to vector<1x512xi32>
    %and3A_42 = arith.andi %iota3A, %and3A_41 : vector<1x512xi32>
    %neg3A = arith.constant 0 : i32
    %neg3A_43 = vector.broadcast %neg3A : i32 to vector<1x512xi32>
    %neg3A_44 = arith.subi %neg3A_43, %and3A_42 : vector<1x512xi32>
    %convert_element_type3A_45 = arith.sitofp %neg3A_44 : vector<1x512xi32> to vector<1x512xf32>
    %concatenate3A_46 = tpu.concatenate %mul3A_30, %broadcast_in_dim3A_32, %convert_element_type3A_39, %convert_element_type3A_45 in 0 : vector<1x512xf32>, vector<1x512xf32>, vector<1x512xf32>, vector<1x512xf32> -> vector<4x512xf32>
    %convert_element_type3A_47 = arith.truncf %concatenate3A_46 : vector<4x512xf32> to vector<4x512xbf16>
    %dot_general3A = arith.constant dense<0.000000e+00> : vector<4000x512xf32>
    %dot_general3A_48 = tpu.matmul %concatenate3A, %convert_element_type3A_47, %dot_general3A {dimension_numbers = #tpu.dot_dimension_numbers<[1], [0], [0], [1], [0, 0, 1, 1], [], []>, transpose_lhs_hint = false} : vector<4000x4xbf16>, vector<4x512xbf16>, vector<4000x512xf32> -> vector<4000x512xf32>
    %eq3A_49 = arith.constant 0.000000e+00 : f32
    %eq3A_50 = vector.broadcast %eq3A_49 : f32 to vector<4000x512xf32>
    %eq3A_51 = arith.cmpf oeq, %dot_general3A_48, %eq3A_50 : vector<4000x512xf32>
    %get3A_52 = arith.constant 0 : index
    %get3A_53 = arith.constant 0 : index
    %get3A_54 = vector.load %arg6[%get3A_52, %get3A_53] : memref<128x512xbf16, #tpu.memory_space<vmem>>, vector<128x512xbf16>
    %dot_general3A_55 = arith.constant dense<0.000000e+00> : vector<4000x512xf32>
    %dot_general3A_56 = tpu.matmul %convert_element_type3A_11, %get3A_54, %dot_general3A_55 {dimension_numbers = #tpu.dot_dimension_numbers<[1], [0], [0], [1], [0, 0, 1, 1], [], []>, transpose_lhs_hint = false} : vector<4000x128xbf16>, vector<128x512xbf16>, vector<4000x512xf32> -> vector<4000x512xf32>
    %jit3A = arith.constant 0.000000e+00 : f32
    %broadcast_in_dim3A_57 = vector.broadcast %jit3A : f32 to vector<4000x512xf32>
    %select_n3A = arith.select %eq3A_51, %dot_general3A_56, %broadcast_in_dim3A_57 : vector<4000x512xi1>, vector<4000x512xf32>
    %reduce_sum3A_58 = arith.constant dense<0.000000e+00> : vector<4000xf32>
    %reduce_sum3A_59 = vector.multi_reduction <add>, %select_n3A, %reduce_sum3A_58 [1] : vector<4000x512xf32> to vector<4000xf32>
    %broadcast_in_dim3A_60 = vector.shape_cast %reduce_sum3A_59 : vector<4000xf32> to vector<4000x1xf32>
    %mul3A_61 = arith.constant 2.000000e+00 : f32
    %mul3A_62 = vector.broadcast %mul3A_61 : f32 to vector<4000x1xf32>
    %mul3A_63 = arith.mulf %mul3A_62, %broadcast_in_dim3A_60 : vector<4000x1xf32>
    %sub3A = arith.constant 2.000000e+00 : f32
    %sub3A_64 = vector.broadcast %sub3A : f32 to vector<4000x1xf32>
    %sub3A_65 = arith.subf %sub3A_64, %mul3A_63 : vector<4000x1xf32>
    %max3A_66 = arith.constant 0.000000e+00 : f32
    %max3A_67 = vector.broadcast %max3A_66 : f32 to vector<4000x1xf32>
    %max3A_68 = arith.maximumf %sub3A_65, %max3A_67 : vector<4000x1xf32>
    %sqrt3A_69 = math.sqrt %max3A_68 : vector<4000x1xf32>
    %get3A_70 = arith.constant 0 : index
    %get3A_71 = arith.constant 0 : index
    %get3A_72 = vector.load %arg7[%get3A_70, %get3A_71] : memref<1x512xf32, #tpu.memory_space<vmem>>, vector<1x512xf32>
    %jit3A_73 = arith.constant 0.000000e+00 : f32
    %broadcast_in_dim3A_74 = vector.shape_cast %sqrt3A_69 : vector<4000x1xf32> to vector<4000x1xf32>
    %broadcast_in_dim3A_75 = vector.broadcast %broadcast_in_dim3A_74 : vector<4000x1xf32> to vector<4000x512xf32>
    %broadcast_in_dim3A_76 = vector.broadcast %jit3A_73 : f32 to vector<4000x512xf32>
    %select_n3A_77 = arith.select %eq3A_51, %broadcast_in_dim3A_75, %broadcast_in_dim3A_76 : vector<4000x512xi1>, vector<4000x512xf32>
    %reduce_sum3A_78 = arith.constant dense<0.000000e+00> : vector<512xf32>
    %reduce_sum3A_79 = vector.multi_reduction <add>, %select_n3A_77, %reduce_sum3A_78 [0] : vector<4000x512xf32> to vector<512xf32>
    %broadcast_in_dim3A_80 = vector.shape_cast %reduce_sum3A_79 : vector<512xf32> to vector<1x512xf32>
    %add3A = arith.addf %get3A_72, %broadcast_in_dim3A_80 : vector<1x512xf32>
    %swap3A = arith.constant 0 : index
    %swap3A_81 = arith.constant 0 : index
    %swap3A_82 = vector.load %arg7[%swap3A, %swap3A_81] : memref<1x512xf32, #tpu.memory_space<vmem>>, vector<1x512xf32>
    tpu.vector_store %arg7[%swap3A, %swap3A_81], %add3A {strides = array<i32>} : memref<1x512xf32, #tpu.memory_space<vmem>>, vector<1x512xf32>,
    %eq3A_83 = arith.constant 24 : i32
    %eq3A_84 = arith.cmpi eq, %arg0, %eq3A_83 : i32
    %convert_element_type3A_85 = arith.extui %eq3A_84 : i1 to i32
    %cond3A_86 = arith.constant 0 : i32
    %cond3A_87 = arith.cmpi ne, %convert_element_type3A_85, %cond3A_86 : i32
    scf.if %cond3A_87 {
      %get3A_88 = arith.constant 0 : index
      %get3A_89 = arith.constant 0 : index
      %get3A_90 = vector.load %arg1[%get3A_88, %get3A_89] : memref<512x128xf32, #tpu.memory_space<vmem>>, vector<512x128xf32>
      %mul3A_91 = arith.mulf %get3A_90, %get3A_90 : vector<512x128xf32>
      %reduce_sum3A_92 = arith.constant dense<0.000000e+00> : vector<512xf32>
      %reduce_sum3A_93 = vector.multi_reduction <add>, %mul3A_91, %reduce_sum3A_92 [1] : vector<512x128xf32> to vector<512xf32>
      %broadcast_in_dim3A_94 = vector.shape_cast %reduce_sum3A_93 : vector<512xf32> to vector<512x1xf32>
      %sqrt3A_95 = math.sqrt %broadcast_in_dim3A_94 : vector<512x1xf32>
      %max3A_96 = arith.constant 9.99999996E-13 : f32
      %max3A_97 = vector.broadcast %max3A_96 : f32 to vector<512x1xf32>
      %max3A_98 = arith.maximumf %sqrt3A_95, %max3A_97 : vector<512x1xf32>
      %div3A_99 = vector.broadcast %max3A_98 : vector<512x1xf32> to vector<512x128xf32>
      %div3A_100 = arith.divf %get3A_90, %div3A_99 : vector<512x128xf32>
      %get3A_101 = arith.constant 0 : index
      %get3A_102 = arith.constant 0 : index
      %get3A_103 = arith.constant 0 : index
      %get3A_104 = vector.load %arg4[%get3A_101, %get3A_102, %get3A_103] : memref<32x21x512xf32, #tpu.memory_space<vmem>>, vector<32x21x512xf32>
      %reduce_sum3A_105 = arith.constant dense<0.000000e+00> : vector<21x512xf32>
      %reduce_sum3A_106 = vector.multi_reduction <add>, %get3A_104, %reduce_sum3A_105 [0] : vector<32x21x512xf32> to vector<21x512xf32>
      %slice3A = vector.extract_strided_slice %reduce_sum3A_106 {offsets = [0, 0], sizes = [20, 512], strides = [1, 1]} : vector<21x512xf32> to vector<20x512xf32>
      %reduce_sum3A_107 = arith.constant dense<0.000000e+00> : vector<512xf32>
      %reduce_sum3A_108 = vector.multi_reduction <add>, %slice3A, %reduce_sum3A_107 [0] : vector<20x512xf32> to vector<512xf32>
      %broadcast_in_dim3A_109 = vector.shape_cast %reduce_sum3A_108 : vector<512xf32> to vector<1x512xf32>
      %get3A_110 = arith.constant 0 : index
      %get3A_111 = arith.constant 0 : index
      %get3A_112 = vector.load %arg7[%get3A_110, %get3A_111] : memref<1x512xf32, #tpu.memory_space<vmem>>, vector<1x512xf32>
      %max3A_113 = arith.constant 1.000000e+00 : f32
      %max3A_114 = vector.broadcast %max3A_113 : f32 to vector<1x512xf32>
      %max3A_115 = arith.maximumf %broadcast_in_dim3A_109, %max3A_114 : vector<1x512xf32>
      %div3A_116 = arith.divf %get3A_112, %max3A_115 : vector<1x512xf32>
      %max3A_117 = arith.constant 0.000000e+00 : f32
      %max3A_118 = vector.broadcast %max3A_117 : f32 to vector<1x512xf32>
      %max3A_119 = arith.maximumf %div3A_116, %max3A_118 : vector<1x512xf32>
      %reduce_sum3A_120 = vector.shape_cast %max3A_119 : vector<1x512xf32> to vector<1x1x512xf32>
      %reduce_sum3A_121 = arith.constant dense<0.000000e+00> : vector<1xf32>
      %reduce_sum3A_122 = vector.multi_reduction <add>, %reduce_sum3A_120, %reduce_sum3A_121 [1, 2] : vector<1x1x512xf32> to vector<1xf32>
      %reduce_sum3A_123 = vector.shape_cast %reduce_sum3A_122 : vector<1xf32> to vector<1x1x1xf32>
      %reduce_sum3A_124 = vector.extract %reduce_sum3A_123[0, 0, 0] : f32 from vector<1x1x1xf32>
      %div3A_125 = arith.constant 5.120000e+02 : f32
      %div3A_126 = arith.divf %reduce_sum3A_124, %div3A_125 : f32
      %add3A_127 = arith.constant 9.99999993E-9 : f32
      %add3A_128 = vector.broadcast %add3A_127 : f32 to vector<1x512xf32>
      %add3A_129 = arith.addf %broadcast_in_dim3A_109, %add3A_128 : vector<1x512xf32>
      %div3A_130 = vector.broadcast %add3A_129 : vector<1x512xf32> to vector<20x512xf32>
      %div3A_131 = arith.divf %slice3A, %div3A_130 : vector<20x512xf32>
      %add3A_132 = arith.constant 9.99999993E-9 : f32
      %add3A_133 = vector.broadcast %add3A_132 : f32 to vector<20x512xf32>
      %add3A_134 = arith.addf %div3A_131, %add3A_133 : vector<20x512xf32>
      %log3A = math.log %add3A_134 : vector<20x512xf32>
      %mul3A_135 = arith.mulf %div3A_131, %log3A : vector<20x512xf32>
      %reduce_sum3A_136 = arith.constant dense<0.000000e+00> : vector<512xf32>
      %reduce_sum3A_137 = vector.multi_reduction <add>, %mul3A_135, %reduce_sum3A_136 [0] : vector<20x512xf32> to vector<512xf32>
      %broadcast_in_dim3A_138 = vector.shape_cast %reduce_sum3A_137 : vector<512xf32> to vector<1x512xf32>
      %neg3A_139 = arith.constant 0.000000e+00 : f32
      %neg3A_140 = vector.broadcast %neg3A_139 : f32 to vector<1x512xf32>
      %neg3A_141 = arith.subf %neg3A_140, %broadcast_in_dim3A_138 : vector<1x512xf32>
      %gt3A = arith.constant 0.000000e+00 : f32
      %gt3A_142 = vector.broadcast %gt3A : f32 to vector<1x512xf32>
      %gt3A_143 = arith.cmpf ogt, %add3A_129, %gt3A_142 : vector<1x512xf32>
      %convert_element_type3A_144 = arith.extui %gt3A_143 : vector<1x512xi1> to vector<1x512xi32>
      %convert_element_type3A_145 = arith.sitofp %convert_element_type3A_144 : vector<1x512xi32> to vector<1x512xf32>
      %mul3A_146 = arith.mulf %neg3A_141, %convert_element_type3A_145 : vector<1x512xf32>
      %reduce_sum3A_147 = vector.shape_cast %mul3A_146 : vector<1x512xf32> to vector<1x1x512xf32>
      %reduce_sum3A_148 = arith.constant dense<0.000000e+00> : vector<1xf32>
      %reduce_sum3A_149 = vector.multi_reduction <add>, %reduce_sum3A_147, %reduce_sum3A_148 [1, 2] : vector<1x1x512xf32> to vector<1xf32>
      %reduce_sum3A_150 = vector.shape_cast %reduce_sum3A_149 : vector<1xf32> to vector<1x1x1xf32>
      %reduce_sum3A_151 = vector.extract %reduce_sum3A_150[0, 0, 0] : f32 from vector<1x1x1xf32>
      %reduce_sum3A_152 = vector.shape_cast %convert_element_type3A_145 : vector<1x512xf32> to vector<1x1x512xf32>
      %reduce_sum3A_153 = arith.constant dense<0.000000e+00> : vector<1xf32>
      %reduce_sum3A_154 = vector.multi_reduction <add>, %reduce_sum3A_152, %reduce_sum3A_153 [1, 2] : vector<1x1x512xf32> to vector<1xf32>
      %reduce_sum3A_155 = vector.shape_cast %reduce_sum3A_154 : vector<1xf32> to vector<1x1x1xf32>
      %reduce_sum3A_156 = vector.extract %reduce_sum3A_155[0, 0, 0] : f32 from vector<1x1x1xf32>
      %max3A_157 = arith.constant 1.000000e+00 : f32
      %max3A_158 = arith.maximumf %reduce_sum3A_156, %max3A_157 : f32
      %div3A_159 = arith.divf %reduce_sum3A_151, %max3A_158 : f32
      %iota3A_160 = tpu.iota {dimensions = array<i32: 0>} : vector<20x512xi32>
      %reduce_max3A = arith.constant dense<0xFF800000> : vector<512xf32>
      %reduce_max3A_161 = vector.multi_reduction <maximumf>, %slice3A, %reduce_max3A [0] : vector<20x512xf32> to vector<512xf32>
      %broadcast_in_dim3A_162 = vector.shape_cast %reduce_max3A_161 : vector<512xf32> to vector<1x512xf32>
      %eq3A_163 = vector.broadcast %broadcast_in_dim3A_162 : vector<1x512xf32> to vector<20x512xf32>
      %eq3A_164 = arith.cmpf oeq, %slice3A, %eq3A_163 : vector<20x512xf32>
      %jit3A_165 = arith.constant 20 : i32
      %broadcast_in_dim3A_166 = vector.broadcast %jit3A_165 : i32 to vector<20x512xi32>
      %select_n3A_167 = arith.select %eq3A_164, %iota3A_160, %broadcast_in_dim3A_166 : vector<20x512xi1>, vector<20x512xi32>
      %reduce_min3A = arith.constant dense<2147483647> : vector<512xi32>
      %reduce_min3A_168 = vector.multi_reduction <minsi>, %select_n3A_167, %reduce_min3A [0] : vector<20x512xi32> to vector<512xi32>
      %broadcast_in_dim3A_169 = vector.shape_cast %reduce_min3A_168 : vector<512xi32> to vector<1x512xi32>
      %broadcast_in_dim3A_170 = vector.shape_cast %broadcast_in_dim3A_169 : vector<1x512xi32> to vector<1x512xi32>
      %broadcast_in_dim3A_171 = vector.broadcast %broadcast_in_dim3A_170 : vector<1x512xi32> to vector<20x512xi32>
      %eq3A_172 = arith.cmpi eq, %iota3A_160, %broadcast_in_dim3A_171 : vector<20x512xi32>
      %convert_element_type3A_173 = arith.extui %eq3A_172 : vector<20x512xi1> to vector<20x512xi32>
      %convert_element_type3A_174 = arith.sitofp %convert_element_type3A_173 : vector<20x512xi32> to vector<20x512xf32>
      %dot_general3A_175 = arith.constant dense<0.000000e+00> : vector<512x512xf32>
      %dot_general3A_176 = tpu.matmul %convert_element_type3A_174, %convert_element_type3A_174, %dot_general3A_175 {dimension_numbers = #tpu.dot_dimension_numbers<[0], [0], [1], [1], [0, 1, 1, 1], [], []>, transpose_lhs_hint = false} : vector<20x512xf32>, vector<20x512xf32>, vector<512x512xf32> -> vector<512x512xf32>
      %dot_general3A_177 = arith.constant dense<0.000000e+00> : vector<512x512xf32>
      %dot_general3A_178 = tpu.matmul %convert_element_type3A_145, %convert_element_type3A_145, %dot_general3A_177 {dimension_numbers = #tpu.dot_dimension_numbers<[0], [0], [1], [1], [0, 1, 1, 1], [], []>, transpose_lhs_hint = false} : vector<1x512xf32>, vector<1x512xf32>, vector<512x512xf32> -> vector<512x512xf32>
      %iota3A_179 = tpu.iota {dimensions = array<i32: 0>} : vector<512x512xi32>
      %iota3A_180 = tpu.iota {dimensions = array<i32: 1>} : vector<512x512xi32>
      %ne3A = arith.cmpi ne, %iota3A_179, %iota3A_180 : vector<512x512xi32>
      %convert_element_type3A_181 = arith.extui %ne3A : vector<512x512xi1> to vector<512x512xi32>
      %convert_element_type3A_182 = arith.sitofp %convert_element_type3A_181 : vector<512x512xi32> to vector<512x512xf32>
      %sub3A_183 = arith.constant 1.000000e+00 : f32
      %sub3A_184 = vector.broadcast %sub3A_183 : f32 to vector<512x512xf32>
      %sub3A_185 = arith.subf %sub3A_184, %dot_general3A_176 : vector<512x512xf32>
      %mul3A_186 = arith.mulf %sub3A_185, %convert_element_type3A_182 : vector<512x512xf32>
      %mul3A_187 = arith.mulf %mul3A_186, %dot_general3A_178 : vector<512x512xf32>
      %dot_general3A_188 = arith.constant dense<0.000000e+00> : vector<512x512xf32>
      %dot_general3A_189 = tpu.matmul %div3A_100, %div3A_100, %dot_general3A_188 {dimension_numbers = #tpu.dot_dimension_numbers<[1], [1], [0], [0], [0, 0, 1, 0], [], []>, transpose_lhs_hint = false} : vector<512x128xf32>, vector<512x128xf32>, vector<512x512xf32> -> vector<512x512xf32>
      %mul3A_190 = arith.mulf %div3A_100, %div3A_100 : vector<512x128xf32>
      %reduce_sum3A_191 = arith.constant dense<0.000000e+00> : vector<512xf32>
      %reduce_sum3A_192 = vector.multi_reduction <add>, %mul3A_190, %reduce_sum3A_191 [1] : vector<512x128xf32> to vector<512xf32>
      %broadcast_in_dim3A_193 = vector.shape_cast %reduce_sum3A_192 : vector<512xf32> to vector<512x1xf32>
      %transpose3A = tpu.transpose %broadcast_in_dim3A_193, [1, 0] : vector<512x1xf32> -> vector<1x512xf32>
      %add3A_194 = vector.broadcast %broadcast_in_dim3A_193 : vector<512x1xf32> to vector<512x512xf32>
      %add3A_195 = vector.broadcast %transpose3A : vector<1x512xf32> to vector<512x512xf32>
      %add3A_196 = arith.addf %add3A_194, %add3A_195 : vector<512x512xf32>
      %mul3A_197 = arith.constant 2.000000e+00 : f32
      %mul3A_198 = vector.broadcast %mul3A_197 : f32 to vector<512x512xf32>
      %mul3A_199 = arith.mulf %mul3A_198, %dot_general3A_189 : vector<512x512xf32>
      %sub3A_200 = arith.subf %add3A_196, %mul3A_199 : vector<512x512xf32>
      %gt3A_201 = arith.constant 0.000000e+00 : f32
      %gt3A_202 = vector.broadcast %gt3A_201 : f32 to vector<512x512xf32>
      %gt3A_203 = arith.cmpf ogt, %sub3A_200, %gt3A_202 : vector<512x512xf32>
      %jit3A_204 = arith.constant 1.000000e+00 : f32
      %broadcast_in_dim3A_205 = vector.broadcast %jit3A_204 : f32 to vector<512x512xf32>
      %select_n3A_206 = arith.select %gt3A_203, %sub3A_200, %broadcast_in_dim3A_205 : vector<512x512xi1>, vector<512x512xf32>
      %sqrt3A_207 = math.sqrt %select_n3A_206 : vector<512x512xf32>
      %jit3A_208 = arith.constant 0.000000e+00 : f32
      %broadcast_in_dim3A_209 = vector.broadcast %jit3A_208 : f32 to vector<512x512xf32>
      %select_n3A_210 = arith.select %gt3A_203, %sqrt3A_207, %broadcast_in_dim3A_209 : vector<512x512xi1>, vector<512x512xf32>
      %sub3A_211 = arith.constant 1.200000e+00 : f32
      %sub3A_212 = vector.broadcast %sub3A_211 : f32 to vector<512x512xf32>
      %sub3A_213 = arith.subf %sub3A_212, %select_n3A_210 : vector<512x512xf32>
      %max3A_214 = arith.constant 0.000000e+00 : f32
      %max3A_215 = vector.broadcast %max3A_214 : f32 to vector<512x512xf32>
      %max3A_216 = arith.maximumf %sub3A_213, %max3A_215 : vector<512x512xf32>
      %integer_pow3A = arith.mulf %max3A_216, %max3A_216 : vector<512x512xf32>
      %mul3A_217 = arith.mulf %integer_pow3A, %mul3A_187 : vector<512x512xf32>
      %reduce_sum3A_218 = vector.shape_cast %mul3A_217 : vector<512x512xf32> to vector<1x512x512xf32>
      %reduce_sum3A_219 = arith.constant dense<0.000000e+00> : vector<1xf32>
      %reduce_sum3A_220 = vector.multi_reduction <add>, %reduce_sum3A_218, %reduce_sum3A_219 [1, 2] : vector<1x512x512xf32> to vector<1xf32>
      %reduce_sum3A_221 = vector.shape_cast %reduce_sum3A_220 : vector<1xf32> to vector<1x1x1xf32>
      %reduce_sum3A_222 = vector.extract %reduce_sum3A_221[0, 0, 0] : f32 from vector<1x1x1xf32>
      %reduce_sum3A_223 = vector.shape_cast %mul3A_187 : vector<512x512xf32> to vector<1x512x512xf32>
      %reduce_sum3A_224 = arith.constant dense<0.000000e+00> : vector<1xf32>
      %reduce_sum3A_225 = vector.multi_reduction <add>, %reduce_sum3A_223, %reduce_sum3A_224 [1, 2] : vector<1x512x512xf32> to vector<1xf32>
      %reduce_sum3A_226 = vector.shape_cast %reduce_sum3A_225 : vector<1xf32> to vector<1x1x1xf32>
      %reduce_sum3A_227 = vector.extract %reduce_sum3A_226[0, 0, 0] : f32 from vector<1x1x1xf32>
      %max3A_228 = arith.constant 1.000000e+00 : f32
      %max3A_229 = arith.maximumf %reduce_sum3A_227, %max3A_228 : f32
      %div3A_230 = arith.divf %reduce_sum3A_222, %max3A_229 : f32
      %gt3A_231 = arith.constant 0.000000e+00 : f32
      %gt3A_232 = vector.broadcast %gt3A_231 : f32 to vector<512x1xf32>
      %gt3A_233 = arith.cmpf ogt, %broadcast_in_dim3A_94, %gt3A_232 : vector<512x1xf32>
      %jit3A_234 = arith.constant 1.000000e+00 : f32
      %broadcast_in_dim3A_235 = vector.broadcast %jit3A_234 : f32 to vector<512x1xf32>
      %select_n3A_236 = arith.select %gt3A_233, %broadcast_in_dim3A_94, %broadcast_in_dim3A_235 : vector<512x1xi1>, vector<512x1xf32>
      %sqrt3A_237 = math.sqrt %select_n3A_236 : vector<512x1xf32>
      %jit3A_238 = arith.constant 0.000000e+00 : f32
      %broadcast_in_dim3A_239 = vector.broadcast %jit3A_238 : f32 to vector<512x1xf32>
      %select_n3A_240 = arith.select %gt3A_233, %sqrt3A_237, %broadcast_in_dim3A_239 : vector<512x1xi1>, vector<512x1xf32>
      %reduce_sum3A_241 = vector.shape_cast %select_n3A_240 : vector<512x1xf32> to vector<1x512x1xf32>
      %reduce_sum3A_242 = arith.constant dense<0.000000e+00> : vector<1xf32>
      %reduce_sum3A_243 = vector.multi_reduction <add>, %reduce_sum3A_241, %reduce_sum3A_242 [1, 2] : vector<1x512x1xf32> to vector<1xf32>
      %reduce_sum3A_244 = vector.shape_cast %reduce_sum3A_243 : vector<1xf32> to vector<1x1x1xf32>
      %reduce_sum3A_245 = vector.extract %reduce_sum3A_244[0, 0, 0] : f32 from vector<1x1x1xf32>
      %div3A_246 = arith.constant 5.120000e+02 : f32
      %div3A_247 = arith.divf %reduce_sum3A_245, %div3A_246 : f32
      %mul3A_248 = arith.constant 1.000000e+00 : f32
      %mul3A_249 = arith.mulf %mul3A_248, %div3A_126 : f32
      %mul3A_250 = arith.constant 1.000000e+00 : f32
      %mul3A_251 = arith.mulf %mul3A_250, %div3A_230 : f32
      %add3A_252 = arith.addf %mul3A_249, %mul3A_251 : f32
      %mul3A_253 = arith.constant 1.000000e-03 : f32
      %mul3A_254 = arith.mulf %mul3A_253, %div3A_247 : f32
      %add3A_255 = arith.addf %add3A_252, %mul3A_254 : f32
      %mul3A_256 = arith.constant 1.000000e+00 : f32
      %mul3A_257 = arith.mulf %mul3A_256, %div3A_159 : f32
      %add3A_258 = arith.addf %add3A_255, %mul3A_257 : f32
      %mul3A_259 = arith.constant 1.000000e-01 : f32
      %mul3A_260 = arith.mulf %add3A_258, %mul3A_259 : f32
      %reshape3A = vector.broadcast %mul3A_260 : f32 to vector<1x1xf32>
      %swap3A_261 = arith.constant 0 : index
      %swap3A_262 = arith.constant 0 : index
      %swap3A_263 = vector.load %arg5[%swap3A_261, %swap3A_262] : memref<1x1xf32, #tpu.memory_space<vmem>>, vector<1x1xf32>
      tpu.vector_store %arg5[%swap3A_261, %swap3A_262], %reshape3A {strides = array<i32>} : memref<1x1xf32, #tpu.memory_space<vmem>>, vector<1x1xf32>,
    } else {
    }
    return
  }
  func.func @transform_0(%arg0: i32) -> (i32, i32) {
    %c0_i32 = arith.constant 0 : i32
    %c0_i32_0 = arith.constant 0 : i32
    %c0_i32_1 = arith.constant 0 : i32
    return %c0_i32, %c0_i32_0 : i32, i32
  }
  func.func @transform_1(%arg0: i32) -> (i32, i32) {
    %c0_i32 = arith.constant 0 : i32
    %c0_i32_0 = arith.constant 0 : i32
    return %arg0, %c0_i32 : i32, i32
  }
  func.func @transform_2(%arg0: i32) -> (i32, i32, i32) {
    %c0_i32 = arith.constant 0 : i32
    %c0_i32_0 = arith.constant 0 : i32
    %c0_i32_1 = arith.constant 0 : i32
    return %arg0, %c0_i32, %c0_i32_0 : i32, i32, i32
  }
  func.func @transform_3(%arg0: i32) -> (i32, i32, i32) {
    %c0_i32 = arith.constant 0 : i32
    %c0_i32_0 = arith.constant 0 : i32
    %c0_i32_1 = arith.constant 0 : i32
    %c0_i32_2 = arith.constant 0 : i32
    return %c0_i32, %c0_i32_0, %c0_i32_1 : i32, i32, i32
  }
  func.func @transform_4(%arg0: i32) -> (i32, i32) {
    %c0_i32 = arith.constant 0 : i32
    %c0_i32_0 = arith.constant 0 : i32
    %c0_i32_1 = arith.constant 0 : i32
    return %c0_i32, %c0_i32_0 : i32, i32
  }
}

</mosaic_0001>

<sc_bundles>
// kernel: kernel.4.cloned.1.call-start
scs
__scs_entry_jumppad:
0x0: {  	(pc) =	sbr.rel $0x88, $3  }
0x1: {  	(tag) =	ssettag $0x0;
	lr =	simm.s32 $0x1  }
0x2: {  	[smem:$0x3F9D] =	sst lr;
	_ =	strace $0xD0000000  }
0x3: {  	_ = 	snop  }
0x4: {  	_ = 	snop  }
0x5: {  	_ = 	snop  }
0x6: {  	_ = 	snop  }
0x7: {  	_ = 	snop  }
__scs_overlays_trampoline_lowered:
0x8: {  	[smem:$0x3FAC] =	sst s0  }
0x9: {  	[smem:$0x3FAD] =	sst s1  }
0xa: {  	[smem:$0x3FAE] =	sst s2  }
0xb: {  	[smem:$0x3FAF] =	sst s3  }
0xc: {  	[smem:$0x3FB0] =	sst s4  }
0xd: {  	[smem:$0x3FB1] =	sst s5  }
0xe: {  	[smem:$0x3FB2] =	sst s6  }
0xf: {  	[smem:$0x3FB3] =	sst s7  }
0x10: {  	[smem:$0x3FB4] =	sst s8  }
0x11: {  	[smem:$0x3FB5] =	sst s9;
	s0 =	simm.s32 @!p0 $0x0  }
0x12: {  	s1 =	sld [smem:$0x3F9B];
	s0 =	simm.s32 @p0 $0x1  }
0x13: {  	[smem:$0x3FB6] =	sst s0;
	s0 =	simm.s32 @!p1 $0x0  }
0x14: {  	s2 =	sld [smem:$0x3F9A];
	s0 =	simm.s32 @p1 $0x1  }
0x15: {  	[smem:$0x3FB7] =	sst s0;
	s0 =	simm.s32 @!p2 $0x0  }
0x16: {  	s3 =	sld [smem:$0x3FDB];
	s0 =	simm.s32 @p2 $0x1  }
0x17: {  	s4 =	simm.s32 $0x1BF5;
	[smem:$0x3FB9] =	sst s0  }
0x18: {  	s0 =	sld [smem:$0x3F9C];
	_ =	swait.ge [sflag:s4], $0x0  }
0x19: {  	s7 =	sld [smem:$0x3F9D]  }
0x1a: {  	s8 =	sadd.s32 $0xFFFFE003, lr  }
0x1b: {  	s9 =	sadd.s32 $0xFFFFFEF7, lr;
	s5 =	simm.s32 $0xFFFFFFFF;
	p2 =	slt.u32 s8, $0xFFFFF086  }
0x1c: {  	p1 =	slt.u32 s9, $0xF7A;
	s5 =	simm.s32 @!p2 $0x0  }
0x1d: {  	s5 =	simm.s32 @p1 $0x1;
	p0 =	seq.s32 s7, s2  }
0x1e: {  	s7 =	smul.u32 @!p0 $0xF7A, s2;
	p2 =	seq.s32 @!p0 s5, $0x0  }
0x1f: {  	s9 =	smul.u32 $0xF7A, s1;
	s8 =	simm.s32 @!p0 $0x1BF5;
	p2 =	por !p2, p0  }
0x20: {  	[sflag:s8] =	ssyncset.s32 @!p0 $0xFFFFF086;
	s6 =	sadd.s32 @!p0 s3, s7;
	s7 =	simm.s32 @!p0 $0x108  }
0x21: {  	s3 =	sadd.s32 s3, s9;
	s6 =	sadd.s32 @!p0 $0x88, s6;
	s7 =	simm.s32 @p2 $0x1082  }
0x22: {  	[simem:s7], [sflag:s8] =	dma.local @!p0 [hbm:s6], $0xF7A  }
0x23: {  	s9 =	sor.u32 $0xD0000000, s2;
	s6 =	simm.s32 $0x108;
	_ =	swait.ge @!p0 [sflag:s8], $0x0  }
0x24: {  	s3 =	sadd.s32 $0x88, s3;
	s6 =	simm.s32 @!p1 $0x1082;
	[sflag:s4] =	ssyncset.s32 $0xFFFFF086  }
0x25: {  	[simem:s6], [sflag:s4] =	dma.local [hbm:s3], $0xF7A  }
0x26: {  	[smem:$0x3F9D] =	sst s1;
	(tag) =	ssettag s2;
	_ =	strace s9  }
0x27: {  	s1 =	sld [smem:$0x3FAD]  }
0x28: {  	s2 =	sld [smem:$0x3FAE]  }
0x29: {  	s4 =	sld [smem:$0x3FB0]  }
0x2a: {  	p0 =	seq.s32 s5, $0x0;
	s5 =	sld [smem:$0x3FB1]  }
0x2b: {  	s6 =	sld [smem:$0x3FB2]  }
0x2c: {  	s7 =	sld [smem:$0x3FB3]  }
0x2d: {  	s3 =	simm.s32 $0x108;
	s8 =	sld [smem:$0x3FB4]  }
0x2e: {  	s3 =	simm.s32 @!p0 $0x1082;
	s9 =	sld [smem:$0x3FB5]  }
0x2f: {  	lr =	sadd.s32 s0, s3;
	s0 =	sld [smem:$0x3FAC]  }
0x30: {  	s3 =	sld [smem:$0x3FAF]  }
0x31: {  	[smem:$0x3FB8] =	sst s10  }
0x32: {  	s10 =	sld [smem:$0x3FB6];
	_ =	sdelay $0x3  }
0x33: {  	p0 =	seq.s32 s10, $0x1;
	s10 =	sld [smem:$0x3FB8];
	_ =	sdelay $0x3  }
0x34: {  	[smem:$0x3FB8] =	sst s10  }
0x35: {  	s10 =	sld [smem:$0x3FB7];
	_ =	sdelay $0x3  }
0x36: {  	p1 =	seq.s32 s10, $0x1;
	s10 =	sld [smem:$0x3FB8];
	_ =	sdelay $0x3  }
0x37: {  	[smem:$0x3FB8] =	sst s10  }
0x38: {  	s10 =	sld [smem:$0x3FB9]  }
0x39: {  	_ = 	snop;
	(pc) =	sbr.ind lr, $3  }
0x3a: {  	_ = 	snop  }
0x3b: {  	_ = 	snop  }
0x3c: {  	p2 =	seq.s32 s10, $0x1;
	s10 =	sld [smem:$0x3FB8]  }
0x3d: {  	_ =	shalt  }
0x3e: {  	_ =	shalt  }
0x3f: {  	_ =	shalt  }
0x40: {  	_ =	shalt  }
0x41: {  	_ =	shalt  }
0x42: {  	_ =	shalt  }
0x43: {  	_ =	shalt  }
0x44: {  	_ =	shalt  }
0x45: {  	_ =	shalt  }
0x46: {  	_ =	shalt  }
0x47: {  	_ =	shalt  }
0x48: {  	_ =	shalt  }
0x49: {  	_ =	shalt  }
0x4a: {  	_ =	shalt  }
0x4b: {  	_ =	shalt  }
0x4c: {  	_ =	shalt  }
0x4d: {  	_ =	shalt  }
0x4e: {  	_ =	shalt  }
0x4f: {  	_ =	shalt  }
0x50: {  	_ =	shalt  }
0x51: {  	_ =	shalt  }
0x52: {  	_ =	shalt  }
0x53: {  	_ =	shalt  }
0x54: {  	_ =	shalt  }
0x55: {  	_ =	shalt  }
0x56: {  	_ =	shalt  }
0x57: {  	_ =	shalt  }
0x58: {  	_ =	shalt  }
0x59: {  	_ =	shalt  }
0x5a: {  	_ =	shalt  }
0x5b: {  	_ =	shalt  }
0x5c: {  	_ =	shalt  }
0x5d: {  	_ =	shalt  }
0x5e: {  	_ =	shalt  }
0x5f: {  	_ =	shalt  }
0x60: {  	_ =	shalt  }
0x61: {  	_ =	shalt  }
0x62: {  	_ =	shalt  }
0x63: {  	_ =	shalt  }
0x64: {  	_ =	shalt  }
0x65: {  	_ =	shalt  }
0x66: {  	_ =	shalt  }
0x67: {  	_ =	shalt  }
0x68: {  	_ =	shalt  }
0x69: {  	_ =	shalt  }
0x6a: {  	_ =	shalt  }
0x6b: {  	_ =	shalt  }
0x6c: {  	_ =	shalt  }
0x6d: {  	_ =	shalt  }
0x6e: {  	_ =	shalt  }
0x6f: {  	_ =	shalt  }
0x70: {  	_ =	shalt  }
0x71: {  	_ =	shalt  }
0x72: {  	_ =	shalt  }
0x73: {  	_ =	shalt  }
0x74: {  	_ =	shalt  }
0x75: {  	_ =	shalt  }
0x76: {  	_ =	shalt  }
0x77: {  	_ =	shalt  }
0x78: {  	_ =	shalt  }
0x79: {  	_ =	shalt  }
0x7a: {  	_ =	shalt  }
0x7b: {  	_ =	shalt  }
0x7c: {  	_ =	shalt  }
0x7d: {  	_ =	shalt  }
0x7e: {  	_ =	shalt  }
0x7f: {  	_ =	shalt  }
0x80: {  	_ =	shalt  }
0x81: {  	_ =	shalt  }
0x82: {  	_ =	shalt  }
0x83: {  	_ =	shalt  }
0x84: {  	_ =	shalt  }
0x85: {  	_ =	shalt  }
0x86: {  	_ =	shalt  }
0x87: {  	_ =	shalt  }
.Lfunc_end0:
.L_simem_size_0:
called_computation_lowered:
.L_overlay_start_0:
0x88: {  	s2 =	sld [smem:$0x3FD9]  }
0x89: {  	s3 =	sld [smem:$0x3FFE];
	_ =	sdelay $0x1  }
0x8a: {  	s1 =	srdreg.scid  }
0x8b: {  	s0 =	sand.u32 $0x1, s1  }
0x8c: {  	s16 =	sshll.u32 s0, $0xA;
	s2 =	sadd.s32 s3, s2  }
0x8d: {  	s2 =	sadd.s32 s2, s16  }
0x8e: {  	[smem:$0x3FC4] =	sst s2  }
0x8f: {  	_ = 	snop  }
0x90: {  	(tm) =	ssettm $0x1  }
0x91: {  	s17 =	sld [smem:$0x3FFB];
	_ =	sdelay $0x3  }
0x92: {  	_ =	strace s17  }
0x93: {  	s2 =	sld [smem:$0x3FFC];
	_ =	sdelay $0x3  }
0x94: {  	_ =	strace s2  }
0x95: {  	s2 =	sld [smem:$0x3FFD];
	_ =	sdelay $0x3  }
0x96: {  	_ =	strace s2  }
0x97: {  	_ =	strace $0x8FFFFFFF  }
0x98: {  	s18 =	sld [smem:$0x3FDB];
	_ =	sdelay $0x1  }
0x99: {  	s19 =	simm.s32 $_scs_section_size  }
0x9a: {  	s4 =	simm.s32 $_size__tile_overlayer_lowered;
	s5 =	simm.s32 $_tile_overlayer_lowered  }
0x9b: {  	s22 =	simm.s32 $0x1BFF;
	s21 =	sshll.u32 s5, $0x1;
	s2 =	sadd.s32 s19, s18  }
0x9c: {  	s6 =	simm.s32 $0x0;
	s20 =	sshll.u32 s4, $0x1;
	s4 =	sadd.s32 s21, s2  }
0x9d: {  	[timem:s6], [sflag:s22] =	dma.local [hbm:s4], s20  }
0x9e: {  	_ =	swait.ge [sflag:s22], s20  }
0x9f: {  	s3 =	ssub.s32 $0x0, s20;
	[sflag:s22] =	ssyncset.done $0x0  }
0xa0: {  	[sflag:s22] =	ssyncadd.s32 s3;
	_ =	sdelay $0x1  }
0xa1: {  	s23 =	simm.s32 $0x1B8B  }
0xa2: {  	_ =	swait.ge [sflag:s23], $0x1  }
0xa3: {  	[sflag:s23] =	ssyncset.done $0x0  }
0xa4: {  	s25 =	simm.s32 $0x1B8E;
	s24 =	sld [smem:$0x3FFE];
	[sflag:s23] =	ssyncadd.s32 $0xFFFFFFFF  }
0xa5: {  	s26 =	simm.s32 $execute0_lowered;
	[smem:$0x3FD2] =	sst s25  }
0xa6: {  	s4 =	sshll.u32 s26, $0x1;
	_ =	strace $0x80000046;
	[dreg:$0x1] =	wrdreg $0xFFFFFFFF  }
0xa7: {  	s28 =	simm.s32 $_size_execute0_lowered;
	s2 =	sadd.s32 s2, s4;
	[dreg:$0x0] =	wrdreg $0x0  }
0xa8: {  	s4 =	sshll.u32 s28, $0x1;
	[dreg:$0x2] =	wrdreg s2  }
0xa9: {  	[dreg:$0x3] =	wrdreg s4  }
0xaa: {  	[dreg:$0x4] =	wrdreg $0xC0  }
0xab: {  	_ =	task [dreg:s6], $0x5FFFF  }
0xac: {  	[dreg:$0x1] =	wrdreg $0xFFFFFFFF  }
0xad: {  	[dreg:$0x0] =	wrdreg $0x60  }
0xae: {  	[dreg:$0x2] =	wrdreg s24  }
0xaf: {  	[dreg:$0x3] =	wrdreg $0x53800  }
0xb0: {  	[dreg:$0x4] =	wrdreg $0x9  }
0xb1: {  	_ =	task.clear_ibuf [dreg:s6], $0x5FFFF;
	_ =	strace $0x90000046  }
0xb2: {  	s29 =	simm.s32 $0x9;
	_ =	strace $0x80000048  }
0xb3: {  	_ =	swait.ge [sflag:s29], $0x1  }
0xb4: {  	[sflag:s29] =	ssyncadd.s32 $0xFFFFFFFF  }
0xb5: {  	_ =	strace $0x90000048  }
0xb6: {  	_ =	sfence  }
0xb7: {  	s30 =	sld [smem:$0x0];
	_ =	sdelay $0x2  }
0xb8: {  	s31 =	sshll.u32 s1, $0xD;
	s1 =	sshrl.u32 s1, $0x2  }
0xb9: {  	s3 =	sand.u32 $0x4000, s31;
	s1 =	sadd.s32 s1, s30  }
0xba: {  	s0 =	sor.u32 s3, s0;
	s1 =	sshll.u32 s1, $0x11  }
0xbb: {  	s0 =	sor.u32 s1, s0  }
0xbc: {  	s0 =	sadd.s32 $0x8F2B, s0  }
0xbd: {  	[sflag:s0] =	ssyncadd.remote.s32 $0x1  }
0xbe: {  	_ =	sfence.sel $0xFFFF  }
0xbf: {  	[dreg:$0x0] =	wrdreg $0xFFFFFFFF;
	(pc) =	sbr.abs _section_cstart, $3  }
0xc0: {  	[dreg:$0x1] =	wrdreg $0xFFFFFFFF  }
0xc1: {  	_ =	task.clear_ibuf [dreg:s6], $0x2FFFF;
	_ =	strace $0x9FFFFFFF  }
0xc2: {  	(tm) =	ssettm $0x7FFFFFFF  }
0xc3: {  	_ =	shalt  }
tec
execute0_lowered:
.L_overlay_start_1:
0x0: {  	(tag) =	ssettag $0x1  }
0x1: {  	s5 =	rddreg [dreg:$0x0]  }
0x2: {  	s0 =	srdreg.scid;
	s2 =	rddreg [dreg:$0x1]  }
0x3: {  	s3 =	simm.s32 $0x0;
	s9 =	simm.s32 $0x1;
	s10 =	simm.s32 $0xC80  }
0x4: {  	s11 =	simm.s32 $0x2980;
	s12 =	simm.s32 $0x80;
	s13 =	simm.s32 $0x2900  }
0x5: {  	s16 =	simm.s32 $0x10;
	s17 =	simm.s32 $0x0;
	s4 =	sand.u32 $0x1, s0  }
0x6: {  	s0 =	stileid.u32;
	[smem:$0x7FF] =	sst s3;
	s1 =	sshll.u32 s4, $0x4  }
0x7: {  	s8 =	sshll.u32 s0, $0x7;
	s15 =	smul.u32 $0x2A00, s0;
	s6 =	sor.u32 s0, s1  }
0x8: {  	s4 =	ssub.s32 $0x2, s4;
	s7 =	sshrl.u32 s6, $0x3;
	s6 =	smul.u32 $0x190, s6  }
0x9: {  	s14 =	sshll.u32 s0, $0x6;
	s1 =	rddreg [dreg:$0x2];
	s7 =	smul.u32 $0x15000, s7  }
0xa: {  	_ =	strace $0x80000047;
	s8 =	sand.u32 $0x380, s8;
	s31 =	sshrl.u32 s4, $0x1  }
0xb: {  	s14 =	sor.u32 $0x1C01, s14;
	s6 =	sadd.s32 s6, s5;
	s7 =	sor.u32 s8, s7  }
0xc: {  	s8 =	ssub.s32 s4, s31;
	s4 =	sadd.s32 $0x800, s6;
	s7 =	sshrl.u32 s7, $0x3  }
0xd: {  	s7 =	sadd.s32 s7, s5;
	s5 =	sadd.s32 $0x3A00, s6;
	s6 =	sadd.s32 s15, s2  }
0xe: {  	v1 =	vimm.f32 $0.0e+00;
	v2 =	vimm.f32 $1.000000000e+00;
	v0 =	vmov s15;
	s8 =	smax.u32 s8, $0x1;
	s7 =	sadd.s32 $0x6C00, s7;
	s15 =	sshrl.u32 s6, $0x3  }
.LBB2_1:
0xf: {  	[tilespmem:s3], [sflag:$0x1] =	stream.linear.gather [hbm4b:s4+s3], $0xC80, $0x38;
	[tilespmem:$0x7D80] =	vst v63  }
0x10: {  	_ =	swait.ge [sflag:s9], $0xC80  }
0x11: {  	[sflag:s9] =	ssyncset.done $0x0  }
0x12: {  	[sflag:s9] =	ssyncadd.s32 $0xFFFFF380  }
0x13: {  	[tilespmem:s10], [sflag:$0x1] =	stream.linear.gather [hbm4b:s5+s3], $0xC80, $0x38;
	[tilespmem:$0x7D80] =	vst v63  }
0x14: {  	_ =	swait.ge [sflag:s9], $0xC80  }
0x15: {  	[sflag:s9] =	ssyncset.done $0x0  }
0x16: {  	s18 =	simm.s32 $0x0;
	s19 =	simm.s32 $0x200;
	[sflag:s9] =	ssyncadd.s32 $0xFFFFF380  }
.LBB2_2:
0x17: {  	p0 =	sne.s32 s19, $0xA600;
	[tilespmem:s18+$0x29F0] =	vst v1  }
0x18: {  	[tilespmem:s18+$0x2980] =	vst v1  }
0x19: {  	[tilespmem:s18+$0x2990] =	vst v1  }
.Ltmp0:
0x1a: {  	[tilespmem:s18+$0x29A0] =	vst v1;
	(pc) =	sbr.rel @p0 .LBB2_2-.Ltmp0, $4  }
0x1b: {  	[tilespmem:s18+$0x29B0] =	vst v1  }
0x1c: {  	[tilespmem:s18+$0x29C0] =	vst v1  }
0x1d: {  	[tilespmem:s18+$0x29D0] =	vst v1  }
0x1e: {  	[tilespmem:s18+$0x29E0] =	vst v1;
	s18 =	sshra.s32 s19, $0x2;
	s19 =	sadd.s32 $0x200, s19  }
0x1f: {  	[tilespmem:s18+$0x29F0] =	vst v1  }
0x20: {  	[tilespmem:s18+$0x2980] =	vst v1  }
0x21: {  	[tilespmem:s18+$0x2990] =	vst v1  }
0x22: {  	[tilespmem:s18+$0x29A0] =	vst v1  }
0x23: {  	[tilespmem:s18+$0x29B0] =	vst v1  }
0x24: {  	[tilespmem:s18+$0x29C0] =	vst v1  }
0x25: {  	[tilespmem:s18+$0x29D0] =	vst v1  }
0x26: {  	[tilespmem:s18+$0x29E0] =	vst v1  }
0x27: {  	[spmem:s6] =	stream.linear.scatter [tilespmem:s11], [sflag:$0x1], $0x2A00, $0x38;
	[tilespmem:$0x7D80] =	vst v63  }
0x28: {  	_ =	swait.ge [sflag:s9], $0x2A00  }
0x29: {  	[sflag:s9] =	ssyncset.done $0x0  }
0x2a: {  	[sflag:s9] =	ssyncadd.s32 $0xFFFFD600  }
0x2b: {  	[tilespmem:$0x2900] =	vst v2  }
0x2c: {  	[tilespmem:$0x2910] =	vst v2  }
0x2d: {  	[tilespmem:$0x2920] =	vst v2  }
0x2e: {  	[tilespmem:$0x2930] =	vst v2  }
0x2f: {  	[tilespmem:$0x2940] =	vst v2  }
0x30: {  	[tilespmem:$0x2950] =	vst v2  }
0x31: {  	[tilespmem:$0x2960] =	vst v2  }
0x32: {  	s19 =	simm.s32 $0x0;
	[tilespmem:$0x2970] =	vst v2  }
0x33: {  	v3 =	vld [tilespmem:s19+$0xCF0]  }
0x34: {  	v4 =	vld [tilespmem:s19+$0x70]  }
0x35: {  	v5 =	vld [tilespmem:s19+$0xC80]  }
0x36: {  	v6 =	vld [tilespmem:s19+$0x0]  }
0x37: {  	v7 =	vld [tilespmem:s19+$0xC90]  }
0x38: {  	v8 =	vld [tilespmem:s19+$0x10]  }
0x39: {  	v9 =	vld [tilespmem:s19+$0xCA0]  }
0x3a: {  	v10 =	vld [tilespmem:s19+$0x20];
	v3 =	vshll.u32 v3, $0x9;
	v4 =	vadd.s32 v0, v4  }
0x3b: {  	v11 =	vld [tilespmem:s19+$0xCB0];
	v3 =	vadd.s32 v3, v4;
	v4 =	vshll.u32 v5, $0x9;
	v5 =	vadd.s32 v0, v6  }
0x3c: {  	v12 =	vld [tilespmem:s19+$0x30];
	[tilespmem:s19+$0x1970] =	vst v3;
	v3 =	vadd.s32 v4, v5  }
0x3d: {  	v13 =	vld [tilespmem:s19+$0x40];
	v4 =	vadd.s32 v0, v8;
	[tilespmem:s19+$0x1900] =	vst v3;
	v3 =	vshll.u32 v7, $0x9  }
0x3e: {  	v8 =	vld [tilespmem:s19+$0xCC0];
	v3 =	vadd.s32 v3, v4  }
0x3f: {  	v5 =	vld [tilespmem:s19+$0xCD0];
	v4 =	vadd.s32 v0, v10;
	[tilespmem:s19+$0x1910] =	vst v3;
	v3 =	vshll.u32 v9, $0x9  }
0x40: {  	v6 =	vld [tilespmem:s19+$0x50];
	v3 =	vadd.s32 v3, v4  }
0x41: {  	v9 =	vadd.s32 v0, v12;
	v4 =	vld [tilespmem:s19+$0xCE0];
	[tilespmem:s19+$0x1920] =	vst v3;
	v3 =	vshll.u32 v11, $0x9  }
0x42: {  	s20 =	simm.s32 $0x80;
	v7 =	vld [tilespmem:s19+$0x60];
	v9 =	vadd.s32 v3, v9  }
0x43: {  	s18 =	simm.s32 $0x200;
	s21 =	simm.s32 $0x400;
	v8 =	vshll.u32 v8, $0x9;
	v3 =	vld [tilespmem:s20+$0xCF0];
	[tilespmem:s19+$0x1930] =	vst v9;
	v9 =	vadd.s32 v0, v13  }
.LBB2_4:
0x44: {  	p0 =	sne.s32 s21, $0x3000;
	v10 =	vld [tilespmem:s20+$0x70];
	v8 =	vadd.s32 v8, v9;
	v5 =	vshll.u32 v5, $0x9  }
0x45: {  	v9 =	vld [tilespmem:s20+$0xC80];
	[tilespmem:s19+$0x1940] =	vst v8;
	v6 =	vadd.s32 v0, v6  }
0x46: {  	v8 =	vld [tilespmem:s20+$0x0];
	v5 =	vadd.s32 v5, v6;
	v4 =	vshll.u32 v4, $0x9  }
0x47: {  	v6 =	vld [tilespmem:s20+$0xC90];
	[tilespmem:s19+$0x1950] =	vst v5;
	v5 =	vadd.s32 v0, v7  }
0x48: {  	v7 =	vld [tilespmem:s20+$0x10];
	v4 =	vadd.s32 v4, v5  }
0x49: {  	v3 =	vshll.u32 v3, $0x9;
	v5 =	vld [tilespmem:s20+$0xCA0];
	v10 =	vadd.s32 v0, v10;
	[tilespmem:s19+$0x1960] =	vst v4;
	s19 =	smov.u32 s20  }
0x4a: {  	v4 =	vshll.u32 v9, $0x9;
	v9 =	vld [tilespmem:s19+$0x20];
	v3 =	vadd.s32 v3, v10  }
0x4b: {  	v8 =	vadd.s32 v0, v8;
	v10 =	vld [tilespmem:s19+$0xCB0];
	[tilespmem:s19+$0x1970] =	vst v3  }
0x4c: {  	v3 =	vadd.s32 v4, v8;
	v4 =	vshll.u32 v6, $0x9;
	v8 =	vld [tilespmem:s19+$0x30]  }
0x4d: {  	[tilespmem:s19+$0x1900] =	vst v3;
	v3 =	vadd.s32 v0, v7;
	v7 =	vld [tilespmem:s19+$0xCC0]  }
0x4e: {  	v3 =	vadd.s32 v4, v3;
	v4 =	vshll.u32 v5, $0x9;
	v11 =	vld [tilespmem:s19+$0x40]  }
.Ltmp1:
0x4f: {  	[tilespmem:s19+$0x1910] =	vst v3;
	v3 =	vadd.s32 v0, v9;
	v5 =	vld [tilespmem:s19+$0xCD0];
	(pc) =	sbr.rel @p0 .LBB2_4-.Ltmp1, $4  }
0x50: {  	v3 =	vadd.s32 v4, v3;
	v9 =	vshll.u32 v10, $0x9;
	v6 =	vld [tilespmem:s19+$0x50]  }
0x51: {  	[tilespmem:s19+$0x1920] =	vst v3;
	v3 =	vadd.s32 v0, v8;
	v4 =	vld [tilespmem:s19+$0xCE0]  }
0x52: {  	s20 =	sshra.s32 s21, $0x2;
	v9 =	vadd.s32 v9, v3;
	v8 =	vshll.u32 v7, $0x9;
	v7 =	vld [tilespmem:s19+$0x60]  }
0x53: {  	s21 =	sadd.s32 $0x200, s21;
	v3 =	vld [tilespmem:s20+$0xCF0];
	[tilespmem:s19+$0x1930] =	vst v9;
	v9 =	vadd.s32 v0, v11  }
0x54: {  	v10 =	vld [tilespmem:s20+$0x70];
	v8 =	vadd.s32 v8, v9  }
0x55: {  	v44 =	vld [tilespmem:s20+$0xC80];
	v5 =	vshll.u32 v5, $0x9;
	[tilespmem:s19+$0x1940] =	vst v8;
	v6 =	vadd.s32 v0, v6  }
0x56: {  	v8 =	vld [tilespmem:s20+$0x0];
	v5 =	vadd.s32 v5, v6  }
0x57: {  	v45 =	vld [tilespmem:s20+$0xC90];
	v4 =	vshll.u32 v4, $0x9;
	[tilespmem:s19+$0x1950] =	vst v5;
	v46 =	vadd.s32 v0, v7  }
0x58: {  	v47 =	vld [tilespmem:s20+$0x10];
	v4 =	vadd.s32 v4, v46  }
0x59: {  	v48 =	vld [tilespmem:s20+$0xCA0];
	[tilespmem:s19+$0x1960] =	vst v4  }
0x5a: {  	v50 =	vld [tilespmem:s20+$0x20]  }
0x5b: {  	v3 =	vshll.u32 v3, $0x9;
	v49 =	vadd.s32 v0, v10;
	v51 =	vld [tilespmem:s20+$0xCB0]  }
0x5c: {  	v9 =	vshll.u32 v44, $0x9;
	v3 =	vadd.s32 v3, v49;
	v52 =	vld [tilespmem:s20+$0x30];
	v8 =	vadd.s32 v0, v8  }
0x5d: {  	v54 =	vld [tilespmem:s20+$0xCC0];
	[tilespmem:s20+$0x1970] =	vst v3;
	v3 =	vadd.s32 v9, v8  }
0x5e: {  	v55 =	vld [tilespmem:s20+$0x40];
	[tilespmem:s20+$0x1900] =	vst v3;
	v3 =	vshll.u32 v45, $0x9;
	v53 =	vadd.s32 v0, v47  }
0x5f: {  	v57 =	vld [tilespmem:s20+$0xCD0];
	v3 =	vadd.s32 v3, v53  }
0x60: {  	v58 =	vld [tilespmem:s20+$0x50];
	[tilespmem:s20+$0x1910] =	vst v3;
	v3 =	vshll.u32 v48, $0x9;
	v56 =	vadd.s32 v0, v50  }
0x61: {  	v59 =	vld [tilespmem:s20+$0x60];
	v3 =	vadd.s32 v3, v56  }
0x62: {  	[tilespmem:s20+$0x1920] =	vst v3;
	v3 =	vld [tilespmem:s20+$0xCE0];
	_ =	sdelay $0x1  }
0x63: {  	v4 =	vshll.u32 v51, $0x9;
	v8 =	vadd.s32 v0, v52  }
0x64: {  	v7 =	vshll.u32 v54, $0x9;
	v6 =	vadd.s32 v0, v55;
	v4 =	vadd.s32 v4, v8  }
0x65: {  	v61 =	vshll.u32 v57, $0x9;
	v5 =	vadd.s32 v0, v58;
	v60 =	vadd.s32 v7, v6;
	[tilespmem:s20+$0x1930] =	vst v4  }
0x66: {  	v63 =	vadd.s32 v0, v59;
	v62 =	vadd.s32 v61, v5;
	[tilespmem:s20+$0x1940] =	vst v60;
	v3 =	vshll.u32 v3, $0x9  }
0x67: {  	[tilespmem:s20+$0x1950] =	vst v62;
	v3 =	vadd.s32 v3, v63  }
0x68: {  	s31 =	simm.s32 $0x1900;
	[tilespmem:s20+$0x1960] =	vst v3  }
0x69: {  	[spmem:s2] =	stream.indirect.scatter.add.f32 [tilespmem:s13], [sflag:$0x1], $0x1, s31, s12, $0xb8;
	[tilespmem:$0x7D80] =	vst v63  }
0x6a: {  	_ =	swait.ge [sflag:s9], $0x80  }
.LBB2_6:
0x6b: {  	s19 =	sshra.s32 s18, $0x2;
	[sflag:s9] =	ssyncset.done $0x0;
	p0 =	sne.s32 s18, $0x3000  }
.Ltmp2:
0x6c: {  	s19 =	sadd.s32 $0x1900, s19;
	[sflag:s9] =	ssyncadd.s32 $0xFFFFFF80;
	(pc) =	sbr.rel @p0 .LBB2_6-.Ltmp2, $3  }
0x6d: {  	[spmem:s2] =	stream.indirect.scatter.add.f32 [tilespmem:s13], [sflag:$0x1], $0x1, s19, s12, $0xb8;
	[tilespmem:$0x7D80] =	vst v63  }
0x6e: {  	s18 =	sadd.s32 $0x200, s18;
	_ =	sdelay $0x1  }
0x6f: {  	_ =	swait.ge [sflag:s9], $0x80  }
0x70: {  	s17 =	sadd.s32 $0x1, s17  }
0x71: {  	[sflag:s9] =	ssyncset.done $0x0;
	p0 =	sne.s32 s17, s8  }
.Ltmp3:
0x72: {  	[sflag:s9] =	ssyncadd.s32 $0xFFFFFF80;
	(pc) =	sbr.rel @p0 .LBB2_1-.Ltmp3, $4  }
0x73: {  	[hbm:s7@s12], [sflag:s14] =	dma.strided [spmem:s15@s16], $0x540, s9, $0x10   }
0x74: {  	_ =	swait.ge [sflag:s9], $0x540  }
0x75: {  	[sflag:s9] =	ssyncset.done $0x0  }
0x76: {  	[sflag:s9] =	ssyncadd.s32 $0xFFFFFAC0  }
0x77: {  	_ =	sfence.sel $0x180000  }
0x78: {  	[bflag:$0x0] =	sbarrier.arrive $0xFFFF  }
0x79: {  	p0 =	sne.s32 s0, $0x0;
	_ =	strace $0x90000047  }
0x7a: {  	s0 =	sadd.s32 @!p0 $0x100000, s1;
	[bflag:$0x2] =	sbarrier.arrive $0xFFFF  }
0x7b: {  	[sflag:s0] =	ssyncadd.tile.s32 @!p0 $0x1;
	_ =	shalt  }
.Lfunc_end2:
_tile_overlayer_lowered:
.L_overlay_start_2:
0x7c: {  	(tag) =	ssettag $0x2  }
0x7d: {  	s0 =	rddreg [dreg:$0x0];
	s2 =	stileid.u32  }
0x7e: {  	s1 =	rddreg [dreg:$0x1];
	p0 =	sne.s32 s2, $0x0  }
0x7f: {  	s3 =	rddreg [dreg:$0x2];
	[bflag:$0x3] =	sbarrier.arrive $0xFFFF;
	s2 =	simm.s32 @!p0 $0x1C01  }
0x80: {  	[timem:s3], [sflag:s2] =	dma.local @!p0 [hbm:s0], s1  }
0x81: {  	s0 =	simm.s32 @!p0 $0x1  }
0x82: {  	_ =	swait.ge @!p0 [sflag:s0], s1  }
0x83: {  	s1 =	ssub.s32 @!p0 $0x0, s1;
	[sflag:s0] =	ssyncset.done @!p0 $0x0  }
0x84: {  	[sflag:s0] =	ssyncadd.s32 @!p0 s1  }
0x85: {  	[bflag:$0x3] =	sbarrier.arrive $0xFFFF  }
0x86: {  	_ =	shalt  }

</sc_bundles>
